<compile_context>
chip_gen: v7x
topology: tpu7x:2x2x1
jax: 0.10.2.dev20260603
libtpu: 0.0.44.dev20260713+nightly
codegen_flags: <defaults>
</compile_context>

<pallas_src>
import functools
import math

import jax
import jax.numpy as jnp
from jax import lax
from jax.experimental import pallas as pl
from jax.experimental.pallas import tpu as pltpu
from jax.experimental.pallas import tpu_sc as plsc

EMB = 64
SCALE = math.sqrt(EMB)
NC = 2
NS = 16
NW = NC * NS
CHUNK = 400
LANES = 16
NRING = 4


@functools.lru_cache(maxsize=None)
def _make(n_tokens, vocab):
    assert n_tokens % NW == 0
    per_w = n_tokens // NW
    assert per_w % (CHUNK * NRING) == 0
    n_chunks = per_w // CHUNK

    @functools.partial(
        pl.kernel,
        out_type=jax.ShapeDtypeStruct((n_tokens, EMB), jnp.float32),
        mesh=plsc.VectorSubcoreMesh(
            core_axis_name="c", subcore_axis_name="s",
            num_cores=NC, num_subcores=NS,
        ),
        scratch_types=[
            pltpu.VMEM((per_w,), jnp.int32),
            pltpu.VMEM((NRING, CHUNK, EMB), jnp.float32),
            pltpu.SemaphoreType.DMA,
            pltpu.SemaphoreType.DMA,
            pltpu.SemaphoreType.DMA,
            pltpu.SemaphoreType.DMA,
            pltpu.SemaphoreType.DMA,
            pltpu.SemaphoreType.DMA,
            pltpu.SemaphoreType.DMA,
            pltpu.SemaphoreType.DMA,
        ],
        compiler_params=pltpu.CompilerParams(use_tc_tiling_on_sc=False),
    )
    def emb_kernel(tokens_hbm, table_hbm, out_hbm, idx_v, rows_v,
                   gs0, gs1, gs2, gs3, ws0, ws1, ws2, ws3):
        gsems = [gs0, gs1, gs2, gs3]
        wsems = [ws0, ws1, ws2, ws3]
        wid = lax.axis_index("s") * NC + lax.axis_index("c")
        base = wid * per_w
        pltpu.sync_copy(tokens_hbm.at[pl.ds(base, per_w)], idx_v)

        def start_gather(c, p):
            pltpu.async_copy(
                table_hbm.at[idx_v.at[pl.ds(c * CHUNK, CHUNK)]],
                rows_v.at[p], gsems[p],
            )

        def wait_gather(p):
            pltpu.make_async_copy(
                table_hbm.at[idx_v.at[pl.ds(0, CHUNK)]], rows_v.at[p], gsems[p]
            ).wait()

        def start_write(c, p):
            pltpu.async_copy(
                rows_v.at[p], out_hbm.at[pl.ds(base + c * CHUNK, CHUNK)],
                wsems[p],
            )

        def wait_write(p):
            pltpu.make_async_copy(
                rows_v.at[p], out_hbm.at[pl.ds(base, CHUNK)], wsems[p]
            ).wait()

        for p in range(NRING - 1):
            start_gather(p, p)

        @pl.loop(0, n_chunks // NRING)
        def _g(g):
            c4 = g * NRING
            for p in range(NRING):
                c = c4 + p
                wait_gather(p)

                @pl.loop(0, CHUNK, step=4)
                def _scale(i):
                    for t in range(4):
                        for j in range(EMB // LANES):
                            sl = (p, i + t, pl.ds(j * LANES, LANES))
                            rows_v[sl] = rows_v[sl] * SCALE

                start_write(c, p)

                @pl.when(jnp.logical_and(c >= 1, c + NRING - 1 < n_chunks))
                def _():
                    wait_write((p + NRING - 1) % NRING)

                @pl.when(c + NRING - 1 < n_chunks)
                def _():
                    start_gather(c + NRING - 1, (p + NRING - 1) % NRING)

        for p in range(NRING):
            wait_write(p)

    return emb_kernel


def kernel(tokens, embedding):
    b, s = tokens.shape
    flat = tokens.reshape(-1).astype(jnp.int32)
    out = _make(b * s, embedding.shape[0])(flat, embedding)
    return out.reshape(b, s, EMB)

# --- scband reference (transcript-rebuilt; emitter-appended) ---
"""Pipeline reference for scband-token-embedding-39024072851571 (READ-ONLY COPY).

The authoritative reference and input builder live on the scoring server;
editing this copy changes nothing except your own understanding.
"""

import math
import jax, jax.numpy as jnp
import numpy as np

EMB_SIZE = 64
VOCAB_SIZE = 1000000
BATCH = 4096
SEQ_LEN = 200

def setup_inputs(seed: int = 0) -> dict:
    key = jax.random.key(seed)
    k_tok, k_emb = jax.random.split(key)
    tokens = jax.random.randint(k_tok, (BATCH, SEQ_LEN), 0, VOCAB_SIZE, dtype=jnp.int64 if jax.config.jax_enable_x64 else jnp.int32)
    embedding = jax.random.normal(k_emb, (VOCAB_SIZE, EMB_SIZE), dtype=jnp.float32)
    return {"tokens": tokens, "embedding": embedding}

def reference(tokens, embedding):
    # TokenEmbedding.forward: embedding(tokens.long()) * sqrt(emb_size)
    out = jnp.take(embedding, tokens, axis=0) * math.sqrt(EMB_SIZE)
    return out

if __name__ == "__main__":
    import jax
    _d = setup_inputs()
    print(jax.jit(kernel)(*tuple(_d.values())))

</pallas_src>

<mosaic_0001>
#map = affine_map<(d0, d1) -> (0)>
#map1 = affine_map<(d0, d1) -> (0, 0)>
module attributes {stable_mosaic.version = 14 : i64} {
  func.func @emb_kernel(%arg0: i32, %arg1: i32, %arg2: memref<819200xi32, #tpu.memory_space<hbm>>, %arg3: memref<1000000x64xf32, #tpu.memory_space<hbm>>, %arg4: memref<819200x64xf32, #tpu.memory_space<hbm>>, %arg5: memref<25600xi32, #tpu.memory_space<vmem>>, %arg6: memref<4x400x64xf32, #tpu.memory_space<vmem>>, %arg7: memref<!tpu.dma_semaphore, #tpu.memory_space<semaphore_mem>>, %arg8: memref<!tpu.dma_semaphore, #tpu.memory_space<semaphore_mem>>, %arg9: memref<!tpu.dma_semaphore, #tpu.memory_space<semaphore_mem>>, %arg10: memref<!tpu.dma_semaphore, #tpu.memory_space<semaphore_mem>>, %arg11: memref<!tpu.dma_semaphore, #tpu.memory_space<semaphore_mem>>, %arg12: memref<!tpu.dma_semaphore, #tpu.memory_space<semaphore_mem>>, %arg13: memref<!tpu.dma_semaphore, #tpu.memory_space<semaphore_mem>>, %arg14: memref<!tpu.dma_semaphore, #tpu.memory_space<semaphore_mem>>) attributes {dimension_semantics = [#tpu.dimension_semantics<core_parallel>, #tpu.dimension_semantics<subcore_parallel>], iteration_bounds = array<i64: 2, 16>, scalar_prefetch = 0 : i64, scratch_operands = 10 : i64, tpu.core_type = #tpu.core_type<sc_vector_subcore>, window_params = [{transform_indices = #map}, {transform_indices = #map1}, {transform_indices = #map1}]} {
    %mul3A = arith.constant 2 : i32
    %mul3A_0 = arith.muli %arg1, %mul3A : i32
    %add3A = arith.addi %mul3A_0, %arg0 : i32
    %mul3A_1 = arith.constant 25600 : i32
    %mul3A_2 = arith.muli %add3A, %mul3A_1 : i32
    "tpu.region"() ({
      %run_scoped3A = tpu.sem_alloc : memref<!tpu.dma_semaphore, #tpu.memory_space<semaphore_mem>>
      %dma_start3A_87 = tpu.memref_slice %arg2[%mul3A_2] : memref<819200xi32, #tpu.memory_space<hbm>> -> memref<25600xi32, #tpu.memory_space<hbm>>
      %dma_start3A_88 = tpu.memref_slice %arg2[%mul3A_2] : memref<819200xi32, #tpu.memory_space<hbm>> -> memref<25600xi32, #tpu.memory_space<hbm>>
      tpu.enqueue_dma source(%dma_start3A_88 : memref<25600xi32, #tpu.memory_space<hbm>>) target(%arg5 : memref<25600xi32, #tpu.memory_space<vmem>>) target_semaphore(%run_scoped3A : memref<!tpu.dma_semaphore, #tpu.memory_space<semaphore_mem>>)
      %dma_wait3A_89 = tpu.memref_slice %arg2[%mul3A_2] : memref<819200xi32, #tpu.memory_space<hbm>> -> memref<25600xi32, #tpu.memory_space<hbm>>
      %dma_wait3A_90 = tpu.memref_slice %arg2[%mul3A_2] : memref<819200xi32, #tpu.memory_space<hbm>> -> memref<25600xi32, #tpu.memory_space<hbm>>
      tpu.wait_dma2 semaphore(%run_scoped3A : memref<!tpu.dma_semaphore, #tpu.memory_space<semaphore_mem>>) src(%dma_wait3A_90 : memref<25600xi32, #tpu.memory_space<hbm>>) dst(%arg5 : memref<25600xi32, #tpu.memory_space<vmem>>)
      tpu.yield
    }) : () -> ()
    %dma_start3A = arith.constant 0 : i32
    %dma_start3A_3 = arith.constant 0 : i32
    %dma_start3A_4 = arith.constant 0 : i32
    %dma_start3A_5 = tpu.memref_slice %arg6[%dma_start3A, %dma_start3A_3, %dma_start3A_4] : memref<4x400x64xf32, #tpu.memory_space<vmem>> -> memref<1x400x64xf32, #tpu.memory_space<vmem>>
    %dma_start3A_6 = tpu.memref_squeeze %dma_start3A_5 : memref<1x400x64xf32, #tpu.memory_space<vmem>> -> memref<400x64xf32, #tpu.memory_space<vmem>>
    %dma_start3A_7 = arith.constant 0 : i32
    %dma_start3A_8 = tpu.memref_slice %arg5[%dma_start3A_7] : memref<25600xi32, #tpu.memory_space<vmem>> -> memref<400xi32, #tpu.memory_space<vmem>>
    %dma_start3A_9 = arith.constant 0 : i32
    %dma_start3A_10 = arith.constant 0 : i32
    %dma_start3A_11 = tpu.memref_slice %arg3[%dma_start3A_9, %dma_start3A_10] : memref<1000000x64xf32, #tpu.memory_space<hbm>> -> memref<1000000x64xf32, #tpu.memory_space<hbm>>
    tpu.enqueue_indirect_dma source(%dma_start3A_11 : memref<1000000x64xf32, #tpu.memory_space<hbm>>) target(%dma_start3A_6 : memref<400x64xf32, #tpu.memory_space<vmem>>) offsets(%dma_start3A_8 : memref<400xi32, #tpu.memory_space<vmem>>) semaphore(%arg7 : memref<!tpu.dma_semaphore, #tpu.memory_space<semaphore_mem>>)
    %dma_start3A_12 = arith.constant 1 : i32
    %dma_start3A_13 = arith.constant 0 : i32
    %dma_start3A_14 = arith.constant 0 : i32
    %dma_start3A_15 = tpu.memref_slice %arg6[%dma_start3A_12, %dma_start3A_13, %dma_start3A_14] : memref<4x400x64xf32, #tpu.memory_space<vmem>> -> memref<1x400x64xf32, #tpu.memory_space<vmem>>
    %dma_start3A_16 = tpu.memref_squeeze %dma_start3A_15 : memref<1x400x64xf32, #tpu.memory_space<vmem>> -> memref<400x64xf32, #tpu.memory_space<vmem>>
    %dma_start3A_17 = arith.constant 400 : i32
    %dma_start3A_18 = tpu.memref_slice %arg5[%dma_start3A_17] : memref<25600xi32, #tpu.memory_space<vmem>> -> memref<400xi32, #tpu.memory_space<vmem>>
    %dma_start3A_19 = arith.constant 0 : i32
    %dma_start3A_20 = arith.constant 0 : i32
    %dma_start3A_21 = tpu.memref_slice %arg3[%dma_start3A_19, %dma_start3A_20] : memref<1000000x64xf32, #tpu.memory_space<hbm>> -> memref<1000000x64xf32, #tpu.memory_space<hbm>>
    tpu.enqueue_indirect_dma source(%dma_start3A_21 : memref<1000000x64xf32, #tpu.memory_space<hbm>>) target(%dma_start3A_16 : memref<400x64xf32, #tpu.memory_space<vmem>>) offsets(%dma_start3A_18 : memref<400xi32, #tpu.memory_space<vmem>>) semaphore(%arg8 : memref<!tpu.dma_semaphore, #tpu.memory_space<semaphore_mem>>)
    %dma_start3A_22 = arith.constant 2 : i32
    %dma_start3A_23 = arith.constant 0 : i32
    %dma_start3A_24 = arith.constant 0 : i32
    %dma_start3A_25 = tpu.memref_slice %arg6[%dma_start3A_22, %dma_start3A_23, %dma_start3A_24] : memref<4x400x64xf32, #tpu.memory_space<vmem>> -> memref<1x400x64xf32, #tpu.memory_space<vmem>>
    %dma_start3A_26 = tpu.memref_squeeze %dma_start3A_25 : memref<1x400x64xf32, #tpu.memory_space<vmem>> -> memref<400x64xf32, #tpu.memory_space<vmem>>
    %dma_start3A_27 = arith.constant 800 : i32
    %dma_start3A_28 = tpu.memref_slice %arg5[%dma_start3A_27] : memref<25600xi32, #tpu.memory_space<vmem>> -> memref<400xi32, #tpu.memory_space<vmem>>
    %dma_start3A_29 = arith.constant 0 : i32
    %dma_start3A_30 = arith.constant 0 : i32
    %dma_start3A_31 = tpu.memref_slice %arg3[%dma_start3A_29, %dma_start3A_30] : memref<1000000x64xf32, #tpu.memory_space<hbm>> -> memref<1000000x64xf32, #tpu.memory_space<hbm>>
    tpu.enqueue_indirect_dma source(%dma_start3A_31 : memref<1000000x64xf32, #tpu.memory_space<hbm>>) target(%dma_start3A_26 : memref<400x64xf32, #tpu.memory_space<vmem>>) offsets(%dma_start3A_28 : memref<400xi32, #tpu.memory_space<vmem>>) semaphore(%arg9 : memref<!tpu.dma_semaphore, #tpu.memory_space<semaphore_mem>>)
    %scan3A = arith.constant 0 : i32
    %scan3A_32 = arith.constant 16 : i32
    %scan3A_33 = arith.addi %scan3A, %scan3A_32 : i32
    %scan3A_34 = arith.constant 1 : i32
    scf.for %scan3A_87 = %scan3A to %scan3A_33 step %scan3A_34  : i32 {
      %mul3A_88 = arith.constant 1 : i32
      %mul3A_89 = arith.muli %scan3A_87, %mul3A_88 : i32
      %add3A_90 = arith.constant 0 : i32
      %add3A_91 = arith.addi %add3A_90, %mul3A_89 : i32
      %mul3A_92 = arith.constant 4 : i32
      %mul3A_93 = arith.muli %add3A_91, %mul3A_92 : i32
      %add3A_94 = arith.constant 0 : i32
      %add3A_95 = arith.addi %mul3A_93, %add3A_94 : i32
      %dma_wait3A_96 = arith.constant 0 : i32
      %dma_wait3A_97 = arith.constant 0 : i32
      %dma_wait3A_98 = arith.constant 0 : i32
      %dma_wait3A_99 = tpu.memref_slice %arg6[%dma_wait3A_96, %dma_wait3A_97, %dma_wait3A_98] : memref<4x400x64xf32, #tpu.memory_space<vmem>> -> memref<1x400x64xf32, #tpu.memory_space<vmem>>
      %dma_wait3A_100 = tpu.memref_squeeze %dma_wait3A_99 : memref<1x400x64xf32, #tpu.memory_space<vmem>> -> memref<400x64xf32, #tpu.memory_space<vmem>>
      %dma_wait3A_101 = arith.constant 0 : i32
      %dma_wait3A_102 = tpu.memref_slice %arg5[%dma_wait3A_101] : memref<25600xi32, #tpu.memory_space<vmem>> -> memref<400xi32, #tpu.memory_space<vmem>>
      %dma_wait3A_103 = arith.constant 0 : i32
      %dma_wait3A_104 = arith.constant 0 : i32
      %dma_wait3A_105 = tpu.memref_slice %arg3[%dma_wait3A_103, %dma_wait3A_104] : memref<1000000x64xf32, #tpu.memory_space<hbm>> -> memref<1000000x64xf32, #tpu.memory_space<hbm>>
      tpu.wait_indirect_dma semaphore(%arg7 : memref<!tpu.dma_semaphore, #tpu.memory_space<semaphore_mem>>) src(%dma_wait3A_105 : memref<1000000x64xf32, #tpu.memory_space<hbm>>) dst(%dma_wait3A_100 : memref<400x64xf32, #tpu.memory_space<vmem>>)
      %scan3A_106 = arith.constant 0 : i32
      %scan3A_107 = arith.constant 100 : i32
      %scan3A_108 = arith.addi %scan3A_106, %scan3A_107 : i32
      %scan3A_109 = arith.constant 1 : i32
      scf.for %scan3A_304 = %scan3A_106 to %scan3A_108 step %scan3A_109  : i32 {
        %mul3A_305 = arith.constant 4 : i32
        %mul3A_306 = arith.muli %scan3A_304, %mul3A_305 : i32
        %add3A_307 = arith.constant 0 : i32
        %add3A_308 = arith.addi %add3A_307, %mul3A_306 : i32
        %add3A_309 = arith.constant 0 : i32
        %add3A_310 = arith.addi %add3A_308, %add3A_309 : i32
        %get3A = arith.constant 0 : i32
        %get3A_311 = arith.index_cast %get3A : i32 to index
        %get3A_312 = arith.index_cast %add3A_310 : i32 to index
        %get3A_313 = arith.constant 0 : index
        %get3A_314 = tpu.vector_load %arg6[%get3A_311, %get3A_312, %get3A_313] {strides = array<i32>} : memref<4x400x64xf32, #tpu.memory_space<vmem>>, vector<1x1x16xf32>,
        %get3A_315 = vector.shape_cast %get3A_314 : vector<1x1x16xf32> to vector<16xf32>
        %mul3A_316 = arith.constant 8.000000e+00 : f32
        %mul3A_317 = vector.broadcast %mul3A_316 : f32 to vector<16xf32>
        %mul3A_318 = arith.mulf %get3A_315, %mul3A_317 : vector<16xf32>
        %swap3A = arith.constant 0 : i32
        %swap3A_319 = arith.index_cast %swap3A : i32 to index
        %swap3A_320 = arith.index_cast %add3A_310 : i32 to index
        %swap3A_321 = arith.constant 0 : index
        %swap3A_322 = tpu.vector_load %arg6[%swap3A_319, %swap3A_320, %swap3A_321] {strides = array<i32>} : memref<4x400x64xf32, #tpu.memory_space<vmem>>, vector<1x1x16xf32>,
        %swap3A_323 = vector.shape_cast %swap3A_322 : vector<1x1x16xf32> to vector<16xf32>
        %swap3A_324 = vector.shape_cast %mul3A_318 : vector<16xf32> to vector<1x1x16xf32>
        tpu.vector_store %arg6[%swap3A_319, %swap3A_320, %swap3A_321], %swap3A_324 {strides = array<i32>} : memref<4x400x64xf32, #tpu.memory_space<vmem>>, vector<1x1x16xf32>,
        %add3A_325 = arith.constant 0 : i32
        %add3A_326 = arith.addi %add3A_308, %add3A_325 : i32
        %get3A_327 = arith.constant 0 : i32
        %get3A_328 = arith.index_cast %get3A_327 : i32 to index
        %get3A_329 = arith.index_cast %add3A_326 : i32 to index
        %get3A_330 = arith.constant 16 : index
        %get3A_331 = tpu.vector_load %arg6[%get3A_328, %get3A_329, %get3A_330] {strides = array<i32>} : memref<4x400x64xf32, #tpu.memory_space<vmem>>, vector<1x1x16xf32>,
        %get3A_332 = vector.shape_cast %get3A_331 : vector<1x1x16xf32> to vector<16xf32>
        %mul3A_333 = arith.constant 8.000000e+00 : f32
        %mul3A_334 = vector.broadcast %mul3A_333 : f32 to vector<16xf32>
        %mul3A_335 = arith.mulf %get3A_332, %mul3A_334 : vector<16xf32>
        %swap3A_336 = arith.constant 0 : i32
        %swap3A_337 = arith.index_cast %swap3A_336 : i32 to index
        %swap3A_338 = arith.index_cast %add3A_326 : i32 to index
        %swap3A_339 = arith.constant 16 : index
        %swap3A_340 = tpu.vector_load %arg6[%swap3A_337, %swap3A_338, %swap3A_339] {strides = array<i32>} : memref<4x400x64xf32, #tpu.memory_space<vmem>>, vector<1x1x16xf32>,
        %swap3A_341 = vector.shape_cast %swap3A_340 : vector<1x1x16xf32> to vector<16xf32>
        %swap3A_342 = vector.shape_cast %mul3A_335 : vector<16xf32> to vector<1x1x16xf32>
        tpu.vector_store %arg6[%swap3A_337, %swap3A_338, %swap3A_339], %swap3A_342 {strides = array<i32>} : memref<4x400x64xf32, #tpu.memory_space<vmem>>, vector<1x1x16xf32>,
        %add3A_343 = arith.constant 0 : i32
        %add3A_344 = arith.addi %add3A_308, %add3A_343 : i32
        %get3A_345 = arith.constant 0 : i32
        %get3A_346 = arith.index_cast %get3A_345 : i32 to index
        %get3A_347 = arith.index_cast %add3A_344 : i32 to index
        %get3A_348 = arith.constant 32 : index
        %get3A_349 = tpu.vector_load %arg6[%get3A_346, %get3A_347, %get3A_348] {strides = array<i32>} : memref<4x400x64xf32, #tpu.memory_space<vmem>>, vector<1x1x16xf32>,
        %get3A_350 = vector.shape_cast %get3A_349 : vector<1x1x16xf32> to vector<16xf32>
        %mul3A_351 = arith.constant 8.000000e+00 : f32
        %mul3A_352 = vector.broadcast %mul3A_351 : f32 to vector<16xf32>
        %mul3A_353 = arith.mulf %get3A_350, %mul3A_352 : vector<16xf32>
        %swap3A_354 = arith.constant 0 : i32
        %swap3A_355 = arith.index_cast %swap3A_354 : i32 to index
        %swap3A_356 = arith.index_cast %add3A_344 : i32 to index
        %swap3A_357 = arith.constant 32 : index
        %swap3A_358 = tpu.vector_load %arg6[%swap3A_355, %swap3A_356, %swap3A_357] {strides = array<i32>} : memref<4x400x64xf32, #tpu.memory_space<vmem>>, vector<1x1x16xf32>,
        %swap3A_359 = vector.shape_cast %swap3A_358 : vector<1x1x16xf32> to vector<16xf32>
        %swap3A_360 = vector.shape_cast %mul3A_353 : vector<16xf32> to vector<1x1x16xf32>
        tpu.vector_store %arg6[%swap3A_355, %swap3A_356, %swap3A_357], %swap3A_360 {strides = array<i32>} : memref<4x400x64xf32, #tpu.memory_space<vmem>>, vector<1x1x16xf32>,
        %add3A_361 = arith.constant 0 : i32
        %add3A_362 = arith.addi %add3A_308, %add3A_361 : i32
        %get3A_363 = arith.constant 0 : i32
        %get3A_364 = arith.index_cast %get3A_363 : i32 to index
        %get3A_365 = arith.index_cast %add3A_362 : i32 to index
        %get3A_366 = arith.constant 48 : index
        %get3A_367 = tpu.vector_load %arg6[%get3A_364, %get3A_365, %get3A_366] {strides = array<i32>} : memref<4x400x64xf32, #tpu.memory_space<vmem>>, vector<1x1x16xf32>,
        %get3A_368 = vector.shape_cast %get3A_367 : vector<1x1x16xf32> to vector<16xf32>
        %mul3A_369 = arith.constant 8.000000e+00 : f32
        %mul3A_370 = vector.broadcast %mul3A_369 : f32 to vector<16xf32>
        %mul3A_371 = arith.mulf %get3A_368, %mul3A_370 : vector<16xf32>
        %swap3A_372 = arith.constant 0 : i32
        %swap3A_373 = arith.index_cast %swap3A_372 : i32 to index
        %swap3A_374 = arith.index_cast %add3A_362 : i32 to index
        %swap3A_375 = arith.constant 48 : index
        %swap3A_376 = tpu.vector_load %arg6[%swap3A_373, %swap3A_374, %swap3A_375] {strides = array<i32>} : memref<4x400x64xf32, #tpu.memory_space<vmem>>, vector<1x1x16xf32>,
        %swap3A_377 = vector.shape_cast %swap3A_376 : vector<1x1x16xf32> to vector<16xf32>
        %swap3A_378 = vector.shape_cast %mul3A_371 : vector<16xf32> to vector<1x1x16xf32>
        tpu.vector_store %arg6[%swap3A_373, %swap3A_374, %swap3A_375], %swap3A_378 {strides = array<i32>} : memref<4x400x64xf32, #tpu.memory_space<vmem>>, vector<1x1x16xf32>,
        %add3A_379 = arith.constant 1 : i32
        %add3A_380 = arith.addi %add3A_308, %add3A_379 : i32
        %get3A_381 = arith.constant 0 : i32
        %get3A_382 = arith.index_cast %get3A_381 : i32 to index
        %get3A_383 = arith.index_cast %add3A_380 : i32 to index
        %get3A_384 = arith.constant 0 : index
        %get3A_385 = tpu.vector_load %arg6[%get3A_382, %get3A_383, %get3A_384] {strides = array<i32>} : memref<4x400x64xf32, #tpu.memory_space<vmem>>, vector<1x1x16xf32>,
        %get3A_386 = vector.shape_cast %get3A_385 : vector<1x1x16xf32> to vector<16xf32>
        %mul3A_387 = arith.constant 8.000000e+00 : f32
        %mul3A_388 = vector.broadcast %mul3A_387 : f32 to vector<16xf32>
        %mul3A_389 = arith.mulf %get3A_386, %mul3A_388 : vector<16xf32>
        %swap3A_390 = arith.constant 0 : i32
        %swap3A_391 = arith.index_cast %swap3A_390 : i32 to index
        %swap3A_392 = arith.index_cast %add3A_380 : i32 to index
        %swap3A_393 = arith.constant 0 : index
        %swap3A_394 = tpu.vector_load %arg6[%swap3A_391, %swap3A_392, %swap3A_393] {strides = array<i32>} : memref<4x400x64xf32, #tpu.memory_space<vmem>>, vector<1x1x16xf32>,
        %swap3A_395 = vector.shape_cast %swap3A_394 : vector<1x1x16xf32> to vector<16xf32>
        %swap3A_396 = vector.shape_cast %mul3A_389 : vector<16xf32> to vector<1x1x16xf32>
        tpu.vector_store %arg6[%swap3A_391, %swap3A_392, %swap3A_393], %swap3A_396 {strides = array<i32>} : memref<4x400x64xf32, #tpu.memory_space<vmem>>, vector<1x1x16xf32>,
        %add3A_397 = arith.constant 1 : i32
        %add3A_398 = arith.addi %add3A_308, %add3A_397 : i32
        %get3A_399 = arith.constant 0 : i32
        %get3A_400 = arith.index_cast %get3A_399 : i32 to index
        %get3A_401 = arith.index_cast %add3A_398 : i32 to index
        %get3A_402 = arith.constant 16 : index
        %get3A_403 = tpu.vector_load %arg6[%get3A_400, %get3A_401, %get3A_402] {strides = array<i32>} : memref<4x400x64xf32, #tpu.memory_space<vmem>>, vector<1x1x16xf32>,
        %get3A_404 = vector.shape_cast %get3A_403 : vector<1x1x16xf32> to vector<16xf32>
        %mul3A_405 = arith.constant 8.000000e+00 : f32
        %mul3A_406 = vector.broadcast %mul3A_405 : f32 to vector<16xf32>
        %mul3A_407 = arith.mulf %get3A_404, %mul3A_406 : vector<16xf32>
        %swap3A_408 = arith.constant 0 : i32
        %swap3A_409 = arith.index_cast %swap3A_408 : i32 to index
        %swap3A_410 = arith.index_cast %add3A_398 : i32 to index
        %swap3A_411 = arith.constant 16 : index
        %swap3A_412 = tpu.vector_load %arg6[%swap3A_409, %swap3A_410, %swap3A_411] {strides = array<i32>} : memref<4x400x64xf32, #tpu.memory_space<vmem>>, vector<1x1x16xf32>,
        %swap3A_413 = vector.shape_cast %swap3A_412 : vector<1x1x16xf32> to vector<16xf32>
        %swap3A_414 = vector.shape_cast %mul3A_407 : vector<16xf32> to vector<1x1x16xf32>
        tpu.vector_store %arg6[%swap3A_409, %swap3A_410, %swap3A_411], %swap3A_414 {strides = array<i32>} : memref<4x400x64xf32, #tpu.memory_space<vmem>>, vector<1x1x16xf32>,
        %add3A_415 = arith.constant 1 : i32
        %add3A_416 = arith.addi %add3A_308, %add3A_415 : i32
        %get3A_417 = arith.constant 0 : i32
        %get3A_418 = arith.index_cast %get3A_417 : i32 to index
        %get3A_419 = arith.index_cast %add3A_416 : i32 to index
        %get3A_420 = arith.constant 32 : index
        %get3A_421 = tpu.vector_load %arg6[%get3A_418, %get3A_419, %get3A_420] {strides = array<i32>} : memref<4x400x64xf32, #tpu.memory_space<vmem>>, vector<1x1x16xf32>,
        %get3A_422 = vector.shape_cast %get3A_421 : vector<1x1x16xf32> to vector<16xf32>
        %mul3A_423 = arith.constant 8.000000e+00 : f32
        %mul3A_424 = vector.broadcast %mul3A_423 : f32 to vector<16xf32>
        %mul3A_425 = arith.mulf %get3A_422, %mul3A_424 : vector<16xf32>
        %swap3A_426 = arith.constant 0 : i32
        %swap3A_427 = arith.index_cast %swap3A_426 : i32 to index
        %swap3A_428 = arith.index_cast %add3A_416 : i32 to index
        %swap3A_429 = arith.constant 32 : index
        %swap3A_430 = tpu.vector_load %arg6[%swap3A_427, %swap3A_428, %swap3A_429] {strides = array<i32>} : memref<4x400x64xf32, #tpu.memory_space<vmem>>, vector<1x1x16xf32>,
        %swap3A_431 = vector.shape_cast %swap3A_430 : vector<1x1x16xf32> to vector<16xf32>
        %swap3A_432 = vector.shape_cast %mul3A_425 : vector<16xf32> to vector<1x1x16xf32>
        tpu.vector_store %arg6[%swap3A_427, %swap3A_428, %swap3A_429], %swap3A_432 {strides = array<i32>} : memref<4x400x64xf32, #tpu.memory_space<vmem>>, vector<1x1x16xf32>,
        %add3A_433 = arith.constant 1 : i32
        %add3A_434 = arith.addi %add3A_308, %add3A_433 : i32
        %get3A_435 = arith.constant 0 : i32
        %get3A_436 = arith.index_cast %get3A_435 : i32 to index
        %get3A_437 = arith.index_cast %add3A_434 : i32 to index
        %get3A_438 = arith.constant 48 : index
        %get3A_439 = tpu.vector_load %arg6[%get3A_436, %get3A_437, %get3A_438] {strides = array<i32>} : memref<4x400x64xf32, #tpu.memory_space<vmem>>, vector<1x1x16xf32>,
        %get3A_440 = vector.shape_cast %get3A_439 : vector<1x1x16xf32> to vector<16xf32>
        %mul3A_441 = arith.constant 8.000000e+00 : f32
        %mul3A_442 = vector.broadcast %mul3A_441 : f32 to vector<16xf32>
        %mul3A_443 = arith.mulf %get3A_440, %mul3A_442 : vector<16xf32>
        %swap3A_444 = arith.constant 0 : i32
        %swap3A_445 = arith.index_cast %swap3A_444 : i32 to index
        %swap3A_446 = arith.index_cast %add3A_434 : i32 to index
        %swap3A_447 = arith.constant 48 : index
        %swap3A_448 = tpu.vector_load %arg6[%swap3A_445, %swap3A_446, %swap3A_447] {strides = array<i32>} : memref<4x400x64xf32, #tpu.memory_space<vmem>>, vector<1x1x16xf32>,
        %swap3A_449 = vector.shape_cast %swap3A_448 : vector<1x1x16xf32> to vector<16xf32>
        %swap3A_450 = vector.shape_cast %mul3A_443 : vector<16xf32> to vector<1x1x16xf32>
        tpu.vector_store %arg6[%swap3A_445, %swap3A_446, %swap3A_447], %swap3A_450 {strides = array<i32>} : memref<4x400x64xf32, #tpu.memory_space<vmem>>, vector<1x1x16xf32>,
        %add3A_451 = arith.constant 2 : i32
        %add3A_452 = arith.addi %add3A_308, %add3A_451 : i32
        %get3A_453 = arith.constant 0 : i32
        %get3A_454 = arith.index_cast %get3A_453 : i32 to index
        %get3A_455 = arith.index_cast %add3A_452 : i32 to index
        %get3A_456 = arith.constant 0 : index
        %get3A_457 = tpu.vector_load %arg6[%get3A_454, %get3A_455, %get3A_456] {strides = array<i32>} : memref<4x400x64xf32, #tpu.memory_space<vmem>>, vector<1x1x16xf32>,
        %get3A_458 = vector.shape_cast %get3A_457 : vector<1x1x16xf32> to vector<16xf32>
        %mul3A_459 = arith.constant 8.000000e+00 : f32
        %mul3A_460 = vector.broadcast %mul3A_459 : f32 to vector<16xf32>
        %mul3A_461 = arith.mulf %get3A_458, %mul3A_460 : vector<16xf32>
        %swap3A_462 = arith.constant 0 : i32
        %swap3A_463 = arith.index_cast %swap3A_462 : i32 to index
        %swap3A_464 = arith.index_cast %add3A_452 : i32 to index
        %swap3A_465 = arith.constant 0 : index
        %swap3A_466 = tpu.vector_load %arg6[%swap3A_463, %swap3A_464, %swap3A_465] {strides = array<i32>} : memref<4x400x64xf32, #tpu.memory_space<vmem>>, vector<1x1x16xf32>,
        %swap3A_467 = vector.shape_cast %swap3A_466 : vector<1x1x16xf32> to vector<16xf32>
        %swap3A_468 = vector.shape_cast %mul3A_461 : vector<16xf32> to vector<1x1x16xf32>
        tpu.vector_store %arg6[%swap3A_463, %swap3A_464, %swap3A_465], %swap3A_468 {strides = array<i32>} : memref<4x400x64xf32, #tpu.memory_space<vmem>>, vector<1x1x16xf32>,
        %add3A_469 = arith.constant 2 : i32
        %add3A_470 = arith.addi %add3A_308, %add3A_469 : i32
        %get3A_471 = arith.constant 0 : i32
        %get3A_472 = arith.index_cast %get3A_471 : i32 to index
        %get3A_473 = arith.index_cast %add3A_470 : i32 to index
        %get3A_474 = arith.constant 16 : index
        %get3A_475 = tpu.vector_load %arg6[%get3A_472, %get3A_473, %get3A_474] {strides = array<i32>} : memref<4x400x64xf32, #tpu.memory_space<vmem>>, vector<1x1x16xf32>,
        %get3A_476 = vector.shape_cast %get3A_475 : vector<1x1x16xf32> to vector<16xf32>
        %mul3A_477 = arith.constant 8.000000e+00 : f32
        %mul3A_478 = vector.broadcast %mul3A_477 : f32 to vector<16xf32>
        %mul3A_479 = arith.mulf %get3A_476, %mul3A_478 : vector<16xf32>
        %swap3A_480 = arith.constant 0 : i32
        %swap3A_481 = arith.index_cast %swap3A_480 : i32 to index
        %swap3A_482 = arith.index_cast %add3A_470 : i32 to index
        %swap3A_483 = arith.constant 16 : index
        %swap3A_484 = tpu.vector_load %arg6[%swap3A_481, %swap3A_482, %swap3A_483] {strides = array<i32>} : memref<4x400x64xf32, #tpu.memory_space<vmem>>, vector<1x1x16xf32>,
        %swap3A_485 = vector.shape_cast %swap3A_484 : vector<1x1x16xf32> to vector<16xf32>
        %swap3A_486 = vector.shape_cast %mul3A_479 : vector<16xf32> to vector<1x1x16xf32>
        tpu.vector_store %arg6[%swap3A_481, %swap3A_482, %swap3A_483], %swap3A_486 {strides = array<i32>} : memref<4x400x64xf32, #tpu.memory_space<vmem>>, vector<1x1x16xf32>,
        %add3A_487 = arith.constant 2 : i32
        %add3A_488 = arith.addi %add3A_308, %add3A_487 : i32
        %get3A_489 = arith.constant 0 : i32
        %get3A_490 = arith.index_cast %get3A_489 : i32 to index
        %get3A_491 = arith.index_cast %add3A_488 : i32 to index
        %get3A_492 = arith.constant 32 : index
        %get3A_493 = tpu.vector_load %arg6[%get3A_490, %get3A_491, %get3A_492] {strides = array<i32>} : memref<4x400x64xf32, #tpu.memory_space<vmem>>, vector<1x1x16xf32>,
        %get3A_494 = vector.shape_cast %get3A_493 : vector<1x1x16xf32> to vector<16xf32>
        %mul3A_495 = arith.constant 8.000000e+00 : f32
        %mul3A_496 = vector.broadcast %mul3A_495 : f32 to vector<16xf32>
        %mul3A_497 = arith.mulf %get3A_494, %mul3A_496 : vector<16xf32>
        %swap3A_498 = arith.constant 0 : i32
        %swap3A_499 = arith.index_cast %swap3A_498 : i32 to index
        %swap3A_500 = arith.index_cast %add3A_488 : i32 to index
        %swap3A_501 = arith.constant 32 : index
        %swap3A_502 = tpu.vector_load %arg6[%swap3A_499, %swap3A_500, %swap3A_501] {strides = array<i32>} : memref<4x400x64xf32, #tpu.memory_space<vmem>>, vector<1x1x16xf32>,
        %swap3A_503 = vector.shape_cast %swap3A_502 : vector<1x1x16xf32> to vector<16xf32>
        %swap3A_504 = vector.shape_cast %mul3A_497 : vector<16xf32> to vector<1x1x16xf32>
        tpu.vector_store %arg6[%swap3A_499, %swap3A_500, %swap3A_501], %swap3A_504 {strides = array<i32>} : memref<4x400x64xf32, #tpu.memory_space<vmem>>, vector<1x1x16xf32>,
        %add3A_505 = arith.constant 2 : i32
        %add3A_506 = arith.addi %add3A_308, %add3A_505 : i32
        %get3A_507 = arith.constant 0 : i32
        %get3A_508 = arith.index_cast %get3A_507 : i32 to index
        %get3A_509 = arith.index_cast %add3A_506 : i32 to index
        %get3A_510 = arith.constant 48 : index
        %get3A_511 = tpu.vector_load %arg6[%get3A_508, %get3A_509, %get3A_510] {strides = array<i32>} : memref<4x400x64xf32, #tpu.memory_space<vmem>>, vector<1x1x16xf32>,
        %get3A_512 = vector.shape_cast %get3A_511 : vector<1x1x16xf32> to vector<16xf32>
        %mul3A_513 = arith.constant 8.000000e+00 : f32
        %mul3A_514 = vector.broadcast %mul3A_513 : f32 to vector<16xf32>
        %mul3A_515 = arith.mulf %get3A_512, %mul3A_514 : vector<16xf32>
        %swap3A_516 = arith.constant 0 : i32
        %swap3A_517 = arith.index_cast %swap3A_516 : i32 to index
        %swap3A_518 = arith.index_cast %add3A_506 : i32 to index
        %swap3A_519 = arith.constant 48 : index
        %swap3A_520 = tpu.vector_load %arg6[%swap3A_517, %swap3A_518, %swap3A_519] {strides = array<i32>} : memref<4x400x64xf32, #tpu.memory_space<vmem>>, vector<1x1x16xf32>,
        %swap3A_521 = vector.shape_cast %swap3A_520 : vector<1x1x16xf32> to vector<16xf32>
        %swap3A_522 = vector.shape_cast %mul3A_515 : vector<16xf32> to vector<1x1x16xf32>
        tpu.vector_store %arg6[%swap3A_517, %swap3A_518, %swap3A_519], %swap3A_522 {strides = array<i32>} : memref<4x400x64xf32, #tpu.memory_space<vmem>>, vector<1x1x16xf32>,
        %add3A_523 = arith.constant 3 : i32
        %add3A_524 = arith.addi %add3A_308, %add3A_523 : i32
        %get3A_525 = arith.constant 0 : i32
        %get3A_526 = arith.index_cast %get3A_525 : i32 to index
        %get3A_527 = arith.index_cast %add3A_524 : i32 to index
        %get3A_528 = arith.constant 0 : index
        %get3A_529 = tpu.vector_load %arg6[%get3A_526, %get3A_527, %get3A_528] {strides = array<i32>} : memref<4x400x64xf32, #tpu.memory_space<vmem>>, vector<1x1x16xf32>,
        %get3A_530 = vector.shape_cast %get3A_529 : vector<1x1x16xf32> to vector<16xf32>
        %mul3A_531 = arith.constant 8.000000e+00 : f32
        %mul3A_532 = vector.broadcast %mul3A_531 : f32 to vector<16xf32>
        %mul3A_533 = arith.mulf %get3A_530, %mul3A_532 : vector<16xf32>
        %swap3A_534 = arith.constant 0 : i32
        %swap3A_535 = arith.index_cast %swap3A_534 : i32 to index
        %swap3A_536 = arith.index_cast %add3A_524 : i32 to index
        %swap3A_537 = arith.constant 0 : index
        %swap3A_538 = tpu.vector_load %arg6[%swap3A_535, %swap3A_536, %swap3A_537] {strides = array<i32>} : memref<4x400x64xf32, #tpu.memory_space<vmem>>, vector<1x1x16xf32>,
        %swap3A_539 = vector.shape_cast %swap3A_538 : vector<1x1x16xf32> to vector<16xf32>
        %swap3A_540 = vector.shape_cast %mul3A_533 : vector<16xf32> to vector<1x1x16xf32>
        tpu.vector_store %arg6[%swap3A_535, %swap3A_536, %swap3A_537], %swap3A_540 {strides = array<i32>} : memref<4x400x64xf32, #tpu.memory_space<vmem>>, vector<1x1x16xf32>,
        %add3A_541 = arith.constant 3 : i32
        %add3A_542 = arith.addi %add3A_308, %add3A_541 : i32
        %get3A_543 = arith.constant 0 : i32
        %get3A_544 = arith.index_cast %get3A_543 : i32 to index
        %get3A_545 = arith.index_cast %add3A_542 : i32 to index
        %get3A_546 = arith.constant 16 : index
        %get3A_547 = tpu.vector_load %arg6[%get3A_544, %get3A_545, %get3A_546] {strides = array<i32>} : memref<4x400x64xf32, #tpu.memory_space<vmem>>, vector<1x1x16xf32>,
        %get3A_548 = vector.shape_cast %get3A_547 : vector<1x1x16xf32> to vector<16xf32>
        %mul3A_549 = arith.constant 8.000000e+00 : f32
        %mul3A_550 = vector.broadcast %mul3A_549 : f32 to vector<16xf32>
        %mul3A_551 = arith.mulf %get3A_548, %mul3A_550 : vector<16xf32>
        %swap3A_552 = arith.constant 0 : i32
        %swap3A_553 = arith.index_cast %swap3A_552 : i32 to index
        %swap3A_554 = arith.index_cast %add3A_542 : i32 to index
        %swap3A_555 = arith.constant 16 : index
        %swap3A_556 = tpu.vector_load %arg6[%swap3A_553, %swap3A_554, %swap3A_555] {strides = array<i32>} : memref<4x400x64xf32, #tpu.memory_space<vmem>>, vector<1x1x16xf32>,
        %swap3A_557 = vector.shape_cast %swap3A_556 : vector<1x1x16xf32> to vector<16xf32>
        %swap3A_558 = vector.shape_cast %mul3A_551 : vector<16xf32> to vector<1x1x16xf32>
        tpu.vector_store %arg6[%swap3A_553, %swap3A_554, %swap3A_555], %swap3A_558 {strides = array<i32>} : memref<4x400x64xf32, #tpu.memory_space<vmem>>, vector<1x1x16xf32>,
        %add3A_559 = arith.constant 3 : i32
        %add3A_560 = arith.addi %add3A_308, %add3A_559 : i32
        %get3A_561 = arith.constant 0 : i32
        %get3A_562 = arith.index_cast %get3A_561 : i32 to index
        %get3A_563 = arith.index_cast %add3A_560 : i32 to index
        %get3A_564 = arith.constant 32 : index
        %get3A_565 = tpu.vector_load %arg6[%get3A_562, %get3A_563, %get3A_564] {strides = array<i32>} : memref<4x400x64xf32, #tpu.memory_space<vmem>>, vector<1x1x16xf32>,
        %get3A_566 = vector.shape_cast %get3A_565 : vector<1x1x16xf32> to vector<16xf32>
        %mul3A_567 = arith.constant 8.000000e+00 : f32
        %mul3A_568 = vector.broadcast %mul3A_567 : f32 to vector<16xf32>
        %mul3A_569 = arith.mulf %get3A_566, %mul3A_568 : vector<16xf32>
        %swap3A_570 = arith.constant 0 : i32
        %swap3A_571 = arith.index_cast %swap3A_570 : i32 to index
        %swap3A_572 = arith.index_cast %add3A_560 : i32 to index
        %swap3A_573 = arith.constant 32 : index
        %swap3A_574 = tpu.vector_load %arg6[%swap3A_571, %swap3A_572, %swap3A_573] {strides = array<i32>} : memref<4x400x64xf32, #tpu.memory_space<vmem>>, vector<1x1x16xf32>,
        %swap3A_575 = vector.shape_cast %swap3A_574 : vector<1x1x16xf32> to vector<16xf32>
        %swap3A_576 = vector.shape_cast %mul3A_569 : vector<16xf32> to vector<1x1x16xf32>
        tpu.vector_store %arg6[%swap3A_571, %swap3A_572, %swap3A_573], %swap3A_576 {strides = array<i32>} : memref<4x400x64xf32, #tpu.memory_space<vmem>>, vector<1x1x16xf32>,
        %add3A_577 = arith.constant 3 : i32
        %add3A_578 = arith.addi %add3A_308, %add3A_577 : i32
        %get3A_579 = arith.constant 0 : i32
        %get3A_580 = arith.index_cast %get3A_579 : i32 to index
        %get3A_581 = arith.index_cast %add3A_578 : i32 to index
        %get3A_582 = arith.constant 48 : index
        %get3A_583 = tpu.vector_load %arg6[%get3A_580, %get3A_581, %get3A_582] {strides = array<i32>} : memref<4x400x64xf32, #tpu.memory_space<vmem>>, vector<1x1x16xf32>,
        %get3A_584 = vector.shape_cast %get3A_583 : vector<1x1x16xf32> to vector<16xf32>
        %mul3A_585 = arith.constant 8.000000e+00 : f32
        %mul3A_586 = vector.broadcast %mul3A_585 : f32 to vector<16xf32>
        %mul3A_587 = arith.mulf %get3A_584, %mul3A_586 : vector<16xf32>
        %swap3A_588 = arith.constant 0 : i32
        %swap3A_589 = arith.index_cast %swap3A_588 : i32 to index
        %swap3A_590 = arith.index_cast %add3A_578 : i32 to index
        %swap3A_591 = arith.constant 48 : index
        %swap3A_592 = tpu.vector_load %arg6[%swap3A_589, %swap3A_590, %swap3A_591] {strides = array<i32>} : memref<4x400x64xf32, #tpu.memory_space<vmem>>, vector<1x1x16xf32>,
        %swap3A_593 = vector.shape_cast %swap3A_592 : vector<1x1x16xf32> to vector<16xf32>
        %swap3A_594 = vector.shape_cast %mul3A_587 : vector<16xf32> to vector<1x1x16xf32>
        tpu.vector_store %arg6[%swap3A_589, %swap3A_590, %swap3A_591], %swap3A_594 {strides = array<i32>} : memref<4x400x64xf32, #tpu.memory_space<vmem>>, vector<1x1x16xf32>,
      }
      %scan3A_110 = arith.constant 100 : i32
      %mul3A_111 = arith.constant 400 : i32
      %mul3A_112 = arith.muli %add3A_95, %mul3A_111 : i32
      %add3A_113 = arith.addi %mul3A_2, %mul3A_112 : i32
      %dma_start3A_114 = arith.constant 0 : i32
      %dma_start3A_115 = arith.constant 0 : i32
      %dma_start3A_116 = arith.constant 0 : i32
      %dma_start3A_117 = tpu.memref_slice %arg6[%dma_start3A_114, %dma_start3A_115, %dma_start3A_116] : memref<4x400x64xf32, #tpu.memory_space<vmem>> -> memref<1x400x64xf32, #tpu.memory_space<vmem>>
      %dma_start3A_118 = tpu.memref_squeeze %dma_start3A_117 : memref<1x400x64xf32, #tpu.memory_space<vmem>> -> memref<400x64xf32, #tpu.memory_space<vmem>>
      %dma_start3A_119 = arith.constant 0 : i32
      %dma_start3A_120 = tpu.memref_slice %arg4[%add3A_113, %dma_start3A_119] : memref<819200x64xf32, #tpu.memory_space<hbm>> -> memref<400x64xf32, #tpu.memory_space<hbm>>
      %dma_start3A_121 = arith.constant 0 : i32
      %dma_start3A_122 = tpu.memref_slice %arg4[%add3A_113, %dma_start3A_121] : memref<819200x64xf32, #tpu.memory_space<hbm>> -> memref<400x64xf32, #tpu.memory_space<hbm>>
      %dma_start3A_123 = arith.constant 0 : i32
      %dma_start3A_124 = arith.constant 0 : i32
      %dma_start3A_125 = tpu.memref_slice %arg6[%dma_start3A_114, %dma_start3A_123, %dma_start3A_124] : memref<4x400x64xf32, #tpu.memory_space<vmem>> -> memref<1x400x64xf32, #tpu.memory_space<vmem>>
      %dma_start3A_126 = tpu.memref_squeeze %dma_start3A_125 : memref<1x400x64xf32, #tpu.memory_space<vmem>> -> memref<400x64xf32, #tpu.memory_space<vmem>>
      tpu.enqueue_dma source(%dma_start3A_126 : memref<400x64xf32, #tpu.memory_space<vmem>>) target(%dma_start3A_122 : memref<400x64xf32, #tpu.memory_space<hbm>>) target_semaphore(%arg11 : memref<!tpu.dma_semaphore, #tpu.memory_space<semaphore_mem>>)
      %ge3A = arith.constant 1 : i32
      %ge3A_127 = arith.cmpi sge, %add3A_95, %ge3A : i32
      %add3A_128 = arith.constant 4 : i32
      %add3A_129 = arith.addi %add3A_95, %add3A_128 : i32
      %sub3A = arith.constant 1 : i32
      %sub3A_130 = arith.subi %add3A_129, %sub3A : i32
      %lt3A = arith.constant 64 : i32
      %lt3A_131 = arith.cmpi slt, %sub3A_130, %lt3A : i32
      %and3A = arith.andi %ge3A_127, %lt3A_131 : i1
      %convert_element_type3A = arith.extui %and3A : i1 to i32
      %cond3A = arith.constant 0 : i32
      %cond3A_132 = arith.cmpi ne, %convert_element_type3A, %cond3A : i32
      scf.if %cond3A_132 {
        %dma_wait3A_304 = arith.constant 3 : i32
        %dma_wait3A_305 = arith.constant 0 : i32
        %dma_wait3A_306 = arith.constant 0 : i32
        %dma_wait3A_307 = tpu.memref_slice %arg6[%dma_wait3A_304, %dma_wait3A_305, %dma_wait3A_306] : memref<4x400x64xf32, #tpu.memory_space<vmem>> -> memref<1x400x64xf32, #tpu.memory_space<vmem>>
        %dma_wait3A_308 = tpu.memref_squeeze %dma_wait3A_307 : memref<1x400x64xf32, #tpu.memory_space<vmem>> -> memref<400x64xf32, #tpu.memory_space<vmem>>
        %dma_wait3A_309 = arith.constant 0 : i32
        %dma_wait3A_310 = tpu.memref_slice %arg4[%mul3A_2, %dma_wait3A_309] : memref<819200x64xf32, #tpu.memory_space<hbm>> -> memref<400x64xf32, #tpu.memory_space<hbm>>
        %dma_wait3A_311 = arith.constant 0 : i32
        %dma_wait3A_312 = tpu.memref_slice %arg4[%mul3A_2, %dma_wait3A_311] : memref<819200x64xf32, #tpu.memory_space<hbm>> -> memref<400x64xf32, #tpu.memory_space<hbm>>
        %dma_wait3A_313 = arith.constant 0 : i32
        %dma_wait3A_314 = arith.constant 0 : i32
        %dma_wait3A_315 = tpu.memref_slice %arg6[%dma_wait3A_304, %dma_wait3A_313, %dma_wait3A_314] : memref<4x400x64xf32, #tpu.memory_space<vmem>> -> memref<1x400x64xf32, #tpu.memory_space<vmem>>
        %dma_wait3A_316 = tpu.memref_squeeze %dma_wait3A_315 : memref<1x400x64xf32, #tpu.memory_space<vmem>> -> memref<400x64xf32, #tpu.memory_space<vmem>>
        tpu.wait_dma2 semaphore(%arg14 : memref<!tpu.dma_semaphore, #tpu.memory_space<semaphore_mem>>) src(%dma_wait3A_316 : memref<400x64xf32, #tpu.memory_space<vmem>>) dst(%dma_wait3A_312 : memref<400x64xf32, #tpu.memory_space<hbm>>)
      } else {
      }
      %add3A_133 = arith.constant 4 : i32
      %add3A_134 = arith.addi %add3A_95, %add3A_133 : i32
      %sub3A_135 = arith.constant 1 : i32
      %sub3A_136 = arith.subi %add3A_134, %sub3A_135 : i32
      %lt3A_137 = arith.constant 64 : i32
      %lt3A_138 = arith.cmpi slt, %sub3A_136, %lt3A_137 : i32
      %convert_element_type3A_139 = arith.extui %lt3A_138 : i1 to i32
      %cond3A_140 = arith.constant 0 : i32
      %cond3A_141 = arith.cmpi ne, %convert_element_type3A_139, %cond3A_140 : i32
      scf.if %cond3A_141 {
        %add3A_304 = arith.constant 4 : i32
        %add3A_305 = arith.addi %add3A_95, %add3A_304 : i32
        %sub3A_306 = arith.constant 1 : i32
        %sub3A_307 = arith.subi %add3A_305, %sub3A_306 : i32
        %mul3A_308 = arith.constant 400 : i32
        %mul3A_309 = arith.muli %sub3A_307, %mul3A_308 : i32
        %dma_start3A_310 = arith.constant 3 : i32
        %dma_start3A_311 = arith.constant 0 : i32
        %dma_start3A_312 = arith.constant 0 : i32
        %dma_start3A_313 = tpu.memref_slice %arg6[%dma_start3A_310, %dma_start3A_311, %dma_start3A_312] : memref<4x400x64xf32, #tpu.memory_space<vmem>> -> memref<1x400x64xf32, #tpu.memory_space<vmem>>
        %dma_start3A_314 = tpu.memref_squeeze %dma_start3A_313 : memref<1x400x64xf32, #tpu.memory_space<vmem>> -> memref<400x64xf32, #tpu.memory_space<vmem>>
        %dma_start3A_315 = tpu.memref_slice %arg5[%mul3A_309] : memref<25600xi32, #tpu.memory_space<vmem>> -> memref<400xi32, #tpu.memory_space<vmem>>
        %dma_start3A_316 = arith.constant 0 : i32
        %dma_start3A_317 = arith.constant 0 : i32
        %dma_start3A_318 = tpu.memref_slice %arg3[%dma_start3A_316, %dma_start3A_317] : memref<1000000x64xf32, #tpu.memory_space<hbm>> -> memref<1000000x64xf32, #tpu.memory_space<hbm>>
        tpu.enqueue_indirect_dma source(%dma_start3A_318 : memref<1000000x64xf32, #tpu.memory_space<hbm>>) target(%dma_start3A_314 : memref<400x64xf32, #tpu.memory_space<vmem>>) offsets(%dma_start3A_315 : memref<400xi32, #tpu.memory_space<vmem>>) semaphore(%arg10 : memref<!tpu.dma_semaphore, #tpu.memory_space<semaphore_mem>>)
      } else {
      }
      %add3A_142 = arith.constant 1 : i32
      %add3A_143 = arith.addi %mul3A_93, %add3A_142 : i32
      %dma_wait3A_144 = arith.constant 1 : i32
      %dma_wait3A_145 = arith.constant 0 : i32
      %dma_wait3A_146 = arith.constant 0 : i32
      %dma_wait3A_147 = tpu.memref_slice %arg6[%dma_wait3A_144, %dma_wait3A_145, %dma_wait3A_146] : memref<4x400x64xf32, #tpu.memory_space<vmem>> -> memref<1x400x64xf32, #tpu.memory_space<vmem>>
      %dma_wait3A_148 = tpu.memref_squeeze %dma_wait3A_147 : memref<1x400x64xf32, #tpu.memory_space<vmem>> -> memref<400x64xf32, #tpu.memory_space<vmem>>
      %dma_wait3A_149 = arith.constant 0 : i32
      %dma_wait3A_150 = tpu.memref_slice %arg5[%dma_wait3A_149] : memref<25600xi32, #tpu.memory_space<vmem>> -> memref<400xi32, #tpu.memory_space<vmem>>
      %dma_wait3A_151 = arith.constant 0 : i32
      %dma_wait3A_152 = arith.constant 0 : i32
      %dma_wait3A_153 = tpu.memref_slice %arg3[%dma_wait3A_151, %dma_wait3A_152] : memref<1000000x64xf32, #tpu.memory_space<hbm>> -> memref<1000000x64xf32, #tpu.memory_space<hbm>>
      tpu.wait_indirect_dma semaphore(%arg8 : memref<!tpu.dma_semaphore, #tpu.memory_space<semaphore_mem>>) src(%dma_wait3A_153 : memref<1000000x64xf32, #tpu.memory_space<hbm>>) dst(%dma_wait3A_148 : memref<400x64xf32, #tpu.memory_space<vmem>>)
      %scan3A_154 = arith.constant 0 : i32
      %scan3A_155 = arith.constant 100 : i32
      %scan3A_156 = arith.addi %scan3A_154, %scan3A_155 : i32
      %scan3A_157 = arith.constant 1 : i32
      scf.for %scan3A_304 = %scan3A_154 to %scan3A_156 step %scan3A_157  : i32 {
        %mul3A_305 = arith.constant 4 : i32
        %mul3A_306 = arith.muli %scan3A_304, %mul3A_305 : i32
        %add3A_307 = arith.constant 0 : i32
        %add3A_308 = arith.addi %add3A_307, %mul3A_306 : i32
        %add3A_309 = arith.constant 0 : i32
        %add3A_310 = arith.addi %add3A_308, %add3A_309 : i32
        %get3A = arith.constant 1 : i32
        %get3A_311 = arith.index_cast %get3A : i32 to index
        %get3A_312 = arith.index_cast %add3A_310 : i32 to index
        %get3A_313 = arith.constant 0 : index
        %get3A_314 = tpu.vector_load %arg6[%get3A_311, %get3A_312, %get3A_313] {strides = array<i32>} : memref<4x400x64xf32, #tpu.memory_space<vmem>>, vector<1x1x16xf32>,
        %get3A_315 = vector.shape_cast %get3A_314 : vector<1x1x16xf32> to vector<16xf32>
        %mul3A_316 = arith.constant 8.000000e+00 : f32
        %mul3A_317 = vector.broadcast %mul3A_316 : f32 to vector<16xf32>
        %mul3A_318 = arith.mulf %get3A_315, %mul3A_317 : vector<16xf32>
        %swap3A = arith.constant 1 : i32
        %swap3A_319 = arith.index_cast %swap3A : i32 to index
        %swap3A_320 = arith.index_cast %add3A_310 : i32 to index
        %swap3A_321 = arith.constant 0 : index
        %swap3A_322 = tpu.vector_load %arg6[%swap3A_319, %swap3A_320, %swap3A_321] {strides = array<i32>} : memref<4x400x64xf32, #tpu.memory_space<vmem>>, vector<1x1x16xf32>,
        %swap3A_323 = vector.shape_cast %swap3A_322 : vector<1x1x16xf32> to vector<16xf32>
        %swap3A_324 = vector.shape_cast %mul3A_318 : vector<16xf32> to vector<1x1x16xf32>
        tpu.vector_store %arg6[%swap3A_319, %swap3A_320, %swap3A_321], %swap3A_324 {strides = array<i32>} : memref<4x400x64xf32, #tpu.memory_space<vmem>>, vector<1x1x16xf32>,
        %add3A_325 = arith.constant 0 : i32
        %add3A_326 = arith.addi %add3A_308, %add3A_325 : i32
        %get3A_327 = arith.constant 1 : i32
        %get3A_328 = arith.index_cast %get3A_327 : i32 to index
        %get3A_329 = arith.index_cast %add3A_326 : i32 to index
        %get3A_330 = arith.constant 16 : index
        %get3A_331 = tpu.vector_load %arg6[%get3A_328, %get3A_329, %get3A_330] {strides = array<i32>} : memref<4x400x64xf32, #tpu.memory_space<vmem>>, vector<1x1x16xf32>,
        %get3A_332 = vector.shape_cast %get3A_331 : vector<1x1x16xf32> to vector<16xf32>
        %mul3A_333 = arith.constant 8.000000e+00 : f32
        %mul3A_334 = vector.broadcast %mul3A_333 : f32 to vector<16xf32>
        %mul3A_335 = arith.mulf %get3A_332, %mul3A_334 : vector<16xf32>
        %swap3A_336 = arith.constant 1 : i32
        %swap3A_337 = arith.index_cast %swap3A_336 : i32 to index
        %swap3A_338 = arith.index_cast %add3A_326 : i32 to index
        %swap3A_339 = arith.constant 16 : index
        %swap3A_340 = tpu.vector_load %arg6[%swap3A_337, %swap3A_338, %swap3A_339] {strides = array<i32>} : memref<4x400x64xf32, #tpu.memory_space<vmem>>, vector<1x1x16xf32>,
        %swap3A_341 = vector.shape_cast %swap3A_340 : vector<1x1x16xf32> to vector<16xf32>
        %swap3A_342 = vector.shape_cast %mul3A_335 : vector<16xf32> to vector<1x1x16xf32>
        tpu.vector_store %arg6[%swap3A_337, %swap3A_338, %swap3A_339], %swap3A_342 {strides = array<i32>} : memref<4x400x64xf32, #tpu.memory_space<vmem>>, vector<1x1x16xf32>,
        %add3A_343 = arith.constant 0 : i32
        %add3A_344 = arith.addi %add3A_308, %add3A_343 : i32
        %get3A_345 = arith.constant 1 : i32
        %get3A_346 = arith.index_cast %get3A_345 : i32 to index
        %get3A_347 = arith.index_cast %add3A_344 : i32 to index
        %get3A_348 = arith.constant 32 : index
        %get3A_349 = tpu.vector_load %arg6[%get3A_346, %get3A_347, %get3A_348] {strides = array<i32>} : memref<4x400x64xf32, #tpu.memory_space<vmem>>, vector<1x1x16xf32>,
        %get3A_350 = vector.shape_cast %get3A_349 : vector<1x1x16xf32> to vector<16xf32>
        %mul3A_351 = arith.constant 8.000000e+00 : f32
        %mul3A_352 = vector.broadcast %mul3A_351 : f32 to vector<16xf32>
        %mul3A_353 = arith.mulf %get3A_350, %mul3A_352 : vector<16xf32>
        %swap3A_354 = arith.constant 1 : i32
        %swap3A_355 = arith.index_cast %swap3A_354 : i32 to index
        %swap3A_356 = arith.index_cast %add3A_344 : i32 to index
        %swap3A_357 = arith.constant 32 : index
        %swap3A_358 = tpu.vector_load %arg6[%swap3A_355, %swap3A_356, %swap3A_357] {strides = array<i32>} : memref<4x400x64xf32, #tpu.memory_space<vmem>>, vector<1x1x16xf32>,
        %swap3A_359 = vector.shape_cast %swap3A_358 : vector<1x1x16xf32> to vector<16xf32>
        %swap3A_360 = vector.shape_cast %mul3A_353 : vector<16xf32> to vector<1x1x16xf32>
        tpu.vector_store %arg6[%swap3A_355, %swap3A_356, %swap3A_357], %swap3A_360 {strides = array<i32>} : memref<4x400x64xf32, #tpu.memory_space<vmem>>, vector<1x1x16xf32>,
        %add3A_361 = arith.constant 0 : i32
        %add3A_362 = arith.addi %add3A_308, %add3A_361 : i32
        %get3A_363 = arith.constant 1 : i32
        %get3A_364 = arith.index_cast %get3A_363 : i32 to index
        %get3A_365 = arith.index_cast %add3A_362 : i32 to index
        %get3A_366 = arith.constant 48 : index
        %get3A_367 = tpu.vector_load %arg6[%get3A_364, %get3A_365, %get3A_366] {strides = array<i32>} : memref<4x400x64xf32, #tpu.memory_space<vmem>>, vector<1x1x16xf32>,
        %get3A_368 = vector.shape_cast %get3A_367 : vector<1x1x16xf32> to vector<16xf32>
        %mul3A_369 = arith.constant 8.000000e+00 : f32
        %mul3A_370 = vector.broadcast %mul3A_369 : f32 to vector<16xf32>
        %mul3A_371 = arith.mulf %get3A_368, %mul3A_370 : vector<16xf32>
        %swap3A_372 = arith.constant 1 : i32
        %swap3A_373 = arith.index_cast %swap3A_372 : i32 to index
        %swap3A_374 = arith.index_cast %add3A_362 : i32 to index
        %swap3A_375 = arith.constant 48 : index
        %swap3A_376 = tpu.vector_load %arg6[%swap3A_373, %swap3A_374, %swap3A_375] {strides = array<i32>} : memref<4x400x64xf32, #tpu.memory_space<vmem>>, vector<1x1x16xf32>,
        %swap3A_377 = vector.shape_cast %swap3A_376 : vector<1x1x16xf32> to vector<16xf32>
        %swap3A_378 = vector.shape_cast %mul3A_371 : vector<16xf32> to vector<1x1x16xf32>
        tpu.vector_store %arg6[%swap3A_373, %swap3A_374, %swap3A_375], %swap3A_378 {strides = array<i32>} : memref<4x400x64xf32, #tpu.memory_space<vmem>>, vector<1x1x16xf32>,
        %add3A_379 = arith.constant 1 : i32
        %add3A_380 = arith.addi %add3A_308, %add3A_379 : i32
        %get3A_381 = arith.constant 1 : i32
        %get3A_382 = arith.index_cast %get3A_381 : i32 to index
        %get3A_383 = arith.index_cast %add3A_380 : i32 to index
        %get3A_384 = arith.constant 0 : index
        %get3A_385 = tpu.vector_load %arg6[%get3A_382, %get3A_383, %get3A_384] {strides = array<i32>} : memref<4x400x64xf32, #tpu.memory_space<vmem>>, vector<1x1x16xf32>,
        %get3A_386 = vector.shape_cast %get3A_385 : vector<1x1x16xf32> to vector<16xf32>
        %mul3A_387 = arith.constant 8.000000e+00 : f32
        %mul3A_388 = vector.broadcast %mul3A_387 : f32 to vector<16xf32>
        %mul3A_389 = arith.mulf %get3A_386, %mul3A_388 : vector<16xf32>
        %swap3A_390 = arith.constant 1 : i32
        %swap3A_391 = arith.index_cast %swap3A_390 : i32 to index
        %swap3A_392 = arith.index_cast %add3A_380 : i32 to index
        %swap3A_393 = arith.constant 0 : index
        %swap3A_394 = tpu.vector_load %arg6[%swap3A_391, %swap3A_392, %swap3A_393] {strides = array<i32>} : memref<4x400x64xf32, #tpu.memory_space<vmem>>, vector<1x1x16xf32>,
        %swap3A_395 = vector.shape_cast %swap3A_394 : vector<1x1x16xf32> to vector<16xf32>
        %swap3A_396 = vector.shape_cast %mul3A_389 : vector<16xf32> to vector<1x1x16xf32>
        tpu.vector_store %arg6[%swap3A_391, %swap3A_392, %swap3A_393], %swap3A_396 {strides = array<i32>} : memref<4x400x64xf32, #tpu.memory_space<vmem>>, vector<1x1x16xf32>,
        %add3A_397 = arith.constant 1 : i32
        %add3A_398 = arith.addi %add3A_308, %add3A_397 : i32
        %get3A_399 = arith.constant 1 : i32
        %get3A_400 = arith.index_cast %get3A_399 : i32 to index
        %get3A_401 = arith.index_cast %add3A_398 : i32 to index
        %get3A_402 = arith.constant 16 : index
        %get3A_403 = tpu.vector_load %arg6[%get3A_400, %get3A_401, %get3A_402] {strides = array<i32>} : memref<4x400x64xf32, #tpu.memory_space<vmem>>, vector<1x1x16xf32>,
        %get3A_404 = vector.shape_cast %get3A_403 : vector<1x1x16xf32> to vector<16xf32>
        %mul3A_405 = arith.constant 8.000000e+00 : f32
        %mul3A_406 = vector.broadcast %mul3A_405 : f32 to vector<16xf32>
        %mul3A_407 = arith.mulf %get3A_404, %mul3A_406 : vector<16xf32>
        %swap3A_408 = arith.constant 1 : i32
        %swap3A_409 = arith.index_cast %swap3A_408 : i32 to index
        %swap3A_410 = arith.index_cast %add3A_398 : i32 to index
        %swap3A_411 = arith.constant 16 : index
        %swap3A_412 = tpu.vector_load %arg6[%swap3A_409, %swap3A_410, %swap3A_411] {strides = array<i32>} : memref<4x400x64xf32, #tpu.memory_space<vmem>>, vector<1x1x16xf32>,
        %swap3A_413 = vector.shape_cast %swap3A_412 : vector<1x1x16xf32> to vector<16xf32>
        %swap3A_414 = vector.shape_cast %mul3A_407 : vector<16xf32> to vector<1x1x16xf32>
        tpu.vector_store %arg6[%swap3A_409, %swap3A_410, %swap3A_411], %swap3A_414 {strides = array<i32>} : memref<4x400x64xf32, #tpu.memory_space<vmem>>, vector<1x1x16xf32>,
        %add3A_415 = arith.constant 1 : i32
        %add3A_416 = arith.addi %add3A_308, %add3A_415 : i32
        %get3A_417 = arith.constant 1 : i32
        %get3A_418 = arith.index_cast %get3A_417 : i32 to index
        %get3A_419 = arith.index_cast %add3A_416 : i32 to index
        %get3A_420 = arith.constant 32 : index
        %get3A_421 = tpu.vector_load %arg6[%get3A_418, %get3A_419, %get3A_420] {strides = array<i32>} : memref<4x400x64xf32, #tpu.memory_space<vmem>>, vector<1x1x16xf32>,
        %get3A_422 = vector.shape_cast %get3A_421 : vector<1x1x16xf32> to vector<16xf32>
        %mul3A_423 = arith.constant 8.000000e+00 : f32
        %mul3A_424 = vector.broadcast %mul3A_423 : f32 to vector<16xf32>
        %mul3A_425 = arith.mulf %get3A_422, %mul3A_424 : vector<16xf32>
        %swap3A_426 = arith.constant 1 : i32
        %swap3A_427 = arith.index_cast %swap3A_426 : i32 to index
        %swap3A_428 = arith.index_cast %add3A_416 : i32 to index
        %swap3A_429 = arith.constant 32 : index
        %swap3A_430 = tpu.vector_load %arg6[%swap3A_427, %swap3A_428, %swap3A_429] {strides = array<i32>} : memref<4x400x64xf32, #tpu.memory_space<vmem>>, vector<1x1x16xf32>,
        %swap3A_431 = vector.shape_cast %swap3A_430 : vector<1x1x16xf32> to vector<16xf32>
        %swap3A_432 = vector.shape_cast %mul3A_425 : vector<16xf32> to vector<1x1x16xf32>
        tpu.vector_store %arg6[%swap3A_427, %swap3A_428, %swap3A_429], %swap3A_432 {strides = array<i32>} : memref<4x400x64xf32, #tpu.memory_space<vmem>>, vector<1x1x16xf32>,
        %add3A_433 = arith.constant 1 : i32
        %add3A_434 = arith.addi %add3A_308, %add3A_433 : i32
        %get3A_435 = arith.constant 1 : i32
        %get3A_436 = arith.index_cast %get3A_435 : i32 to index
        %get3A_437 = arith.index_cast %add3A_434 : i32 to index
        %get3A_438 = arith.constant 48 : index
        %get3A_439 = tpu.vector_load %arg6[%get3A_436, %get3A_437, %get3A_438] {strides = array<i32>} : memref<4x400x64xf32, #tpu.memory_space<vmem>>, vector<1x1x16xf32>,
        %get3A_440 = vector.shape_cast %get3A_439 : vector<1x1x16xf32> to vector<16xf32>
        %mul3A_441 = arith.constant 8.000000e+00 : f32
        %mul3A_442 = vector.broadcast %mul3A_441 : f32 to vector<16xf32>
        %mul3A_443 = arith.mulf %get3A_440, %mul3A_442 : vector<16xf32>
        %swap3A_444 = arith.constant 1 : i32
        %swap3A_445 = arith.index_cast %swap3A_444 : i32 to index
        %swap3A_446 = arith.index_cast %add3A_434 : i32 to index
        %swap3A_447 = arith.constant 48 : index
        %swap3A_448 = tpu.vector_load %arg6[%swap3A_445, %swap3A_446, %swap3A_447] {strides = array<i32>} : memref<4x400x64xf32, #tpu.memory_space<vmem>>, vector<1x1x16xf32>,
        %swap3A_449 = vector.shape_cast %swap3A_448 : vector<1x1x16xf32> to vector<16xf32>
        %swap3A_450 = vector.shape_cast %mul3A_443 : vector<16xf32> to vector<1x1x16xf32>
        tpu.vector_store %arg6[%swap3A_445, %swap3A_446, %swap3A_447], %swap3A_450 {strides = array<i32>} : memref<4x400x64xf32, #tpu.memory_space<vmem>>, vector<1x1x16xf32>,
        %add3A_451 = arith.constant 2 : i32
        %add3A_452 = arith.addi %add3A_308, %add3A_451 : i32
        %get3A_453 = arith.constant 1 : i32
        %get3A_454 = arith.index_cast %get3A_453 : i32 to index
        %get3A_455 = arith.index_cast %add3A_452 : i32 to index
        %get3A_456 = arith.constant 0 : index
        %get3A_457 = tpu.vector_load %arg6[%get3A_454, %get3A_455, %get3A_456] {strides = array<i32>} : memref<4x400x64xf32, #tpu.memory_space<vmem>>, vector<1x1x16xf32>,
        %get3A_458 = vector.shape_cast %get3A_457 : vector<1x1x16xf32> to vector<16xf32>
        %mul3A_459 = arith.constant 8.000000e+00 : f32
        %mul3A_460 = vector.broadcast %mul3A_459 : f32 to vector<16xf32>
        %mul3A_461 = arith.mulf %get3A_458, %mul3A_460 : vector<16xf32>
        %swap3A_462 = arith.constant 1 : i32
        %swap3A_463 = arith.index_cast %swap3A_462 : i32 to index
        %swap3A_464 = arith.index_cast %add3A_452 : i32 to index
        %swap3A_465 = arith.constant 0 : index
        %swap3A_466 = tpu.vector_load %arg6[%swap3A_463, %swap3A_464, %swap3A_465] {strides = array<i32>} : memref<4x400x64xf32, #tpu.memory_space<vmem>>, vector<1x1x16xf32>,
        %swap3A_467 = vector.shape_cast %swap3A_466 : vector<1x1x16xf32> to vector<16xf32>
        %swap3A_468 = vector.shape_cast %mul3A_461 : vector<16xf32> to vector<1x1x16xf32>
        tpu.vector_store %arg6[%swap3A_463, %swap3A_464, %swap3A_465], %swap3A_468 {strides = array<i32>} : memref<4x400x64xf32, #tpu.memory_space<vmem>>, vector<1x1x16xf32>,
        %add3A_469 = arith.constant 2 : i32
        %add3A_470 = arith.addi %add3A_308, %add3A_469 : i32
        %get3A_471 = arith.constant 1 : i32
        %get3A_472 = arith.index_cast %get3A_471 : i32 to index
        %get3A_473 = arith.index_cast %add3A_470 : i32 to index
        %get3A_474 = arith.constant 16 : index
        %get3A_475 = tpu.vector_load %arg6[%get3A_472, %get3A_473, %get3A_474] {strides = array<i32>} : memref<4x400x64xf32, #tpu.memory_space<vmem>>, vector<1x1x16xf32>,
        %get3A_476 = vector.shape_cast %get3A_475 : vector<1x1x16xf32> to vector<16xf32>
        %mul3A_477 = arith.constant 8.000000e+00 : f32
        %mul3A_478 = vector.broadcast %mul3A_477 : f32 to vector<16xf32>
        %mul3A_479 = arith.mulf %get3A_476, %mul3A_478 : vector<16xf32>
        %swap3A_480 = arith.constant 1 : i32
        %swap3A_481 = arith.index_cast %swap3A_480 : i32 to index
        %swap3A_482 = arith.index_cast %add3A_470 : i32 to index
        %swap3A_483 = arith.constant 16 : index
        %swap3A_484 = tpu.vector_load %arg6[%swap3A_481, %swap3A_482, %swap3A_483] {strides = array<i32>} : memref<4x400x64xf32, #tpu.memory_space<vmem>>, vector<1x1x16xf32>,
        %swap3A_485 = vector.shape_cast %swap3A_484 : vector<1x1x16xf32> to vector<16xf32>
        %swap3A_486 = vector.shape_cast %mul3A_479 : vector<16xf32> to vector<1x1x16xf32>
        tpu.vector_store %arg6[%swap3A_481, %swap3A_482, %swap3A_483], %swap3A_486 {strides = array<i32>} : memref<4x400x64xf32, #tpu.memory_space<vmem>>, vector<1x1x16xf32>,
        %add3A_487 = arith.constant 2 : i32
        %add3A_488 = arith.addi %add3A_308, %add3A_487 : i32
        %get3A_489 = arith.constant 1 : i32
        %get3A_490 = arith.index_cast %get3A_489 : i32 to index
        %get3A_491 = arith.index_cast %add3A_488 : i32 to index
        %get3A_492 = arith.constant 32 : index
        %get3A_493 = tpu.vector_load %arg6[%get3A_490, %get3A_491, %get3A_492] {strides = array<i32>} : memref<4x400x64xf32, #tpu.memory_space<vmem>>, vector<1x1x16xf32>,
        %get3A_494 = vector.shape_cast %get3A_493 : vector<1x1x16xf32> to vector<16xf32>
        %mul3A_495 = arith.constant 8.000000e+00 : f32
        %mul3A_496 = vector.broadcast %mul3A_495 : f32 to vector<16xf32>
        %mul3A_497 = arith.mulf %get3A_494, %mul3A_496 : vector<16xf32>
        %swap3A_498 = arith.constant 1 : i32
        %swap3A_499 = arith.index_cast %swap3A_498 : i32 to index
        %swap3A_500 = arith.index_cast %add3A_488 : i32 to index
        %swap3A_501 = arith.constant 32 : index
        %swap3A_502 = tpu.vector_load %arg6[%swap3A_499, %swap3A_500, %swap3A_501] {strides = array<i32>} : memref<4x400x64xf32, #tpu.memory_space<vmem>>, vector<1x1x16xf32>,
        %swap3A_503 = vector.shape_cast %swap3A_502 : vector<1x1x16xf32> to vector<16xf32>
        %swap3A_504 = vector.shape_cast %mul3A_497 : vector<16xf32> to vector<1x1x16xf32>
        tpu.vector_store %arg6[%swap3A_499, %swap3A_500, %swap3A_501], %swap3A_504 {strides = array<i32>} : memref<4x400x64xf32, #tpu.memory_space<vmem>>, vector<1x1x16xf32>,
        %add3A_505 = arith.constant 2 : i32
        %add3A_506 = arith.addi %add3A_308, %add3A_505 : i32
        %get3A_507 = arith.constant 1 : i32
        %get3A_508 = arith.index_cast %get3A_507 : i32 to index
        %get3A_509 = arith.index_cast %add3A_506 : i32 to index
        %get3A_510 = arith.constant 48 : index
        %get3A_511 = tpu.vector_load %arg6[%get3A_508, %get3A_509, %get3A_510] {strides = array<i32>} : memref<4x400x64xf32, #tpu.memory_space<vmem>>, vector<1x1x16xf32>,
        %get3A_512 = vector.shape_cast %get3A_511 : vector<1x1x16xf32> to vector<16xf32>
        %mul3A_513 = arith.constant 8.000000e+00 : f32
        %mul3A_514 = vector.broadcast %mul3A_513 : f32 to vector<16xf32>
        %mul3A_515 = arith.mulf %get3A_512, %mul3A_514 : vector<16xf32>
        %swap3A_516 = arith.constant 1 : i32
        %swap3A_517 = arith.index_cast %swap3A_516 : i32 to index
        %swap3A_518 = arith.index_cast %add3A_506 : i32 to index
        %swap3A_519 = arith.constant 48 : index
        %swap3A_520 = tpu.vector_load %arg6[%swap3A_517, %swap3A_518, %swap3A_519] {strides = array<i32>} : memref<4x400x64xf32, #tpu.memory_space<vmem>>, vector<1x1x16xf32>,
        %swap3A_521 = vector.shape_cast %swap3A_520 : vector<1x1x16xf32> to vector<16xf32>
        %swap3A_522 = vector.shape_cast %mul3A_515 : vector<16xf32> to vector<1x1x16xf32>
        tpu.vector_store %arg6[%swap3A_517, %swap3A_518, %swap3A_519], %swap3A_522 {strides = array<i32>} : memref<4x400x64xf32, #tpu.memory_space<vmem>>, vector<1x1x16xf32>,
        %add3A_523 = arith.constant 3 : i32
        %add3A_524 = arith.addi %add3A_308, %add3A_523 : i32
        %get3A_525 = arith.constant 1 : i32
        %get3A_526 = arith.index_cast %get3A_525 : i32 to index
        %get3A_527 = arith.index_cast %add3A_524 : i32 to index
        %get3A_528 = arith.constant 0 : index
        %get3A_529 = tpu.vector_load %arg6[%get3A_526, %get3A_527, %get3A_528] {strides = array<i32>} : memref<4x400x64xf32, #tpu.memory_space<vmem>>, vector<1x1x16xf32>,
        %get3A_530 = vector.shape_cast %get3A_529 : vector<1x1x16xf32> to vector<16xf32>
        %mul3A_531 = arith.constant 8.000000e+00 : f32
        %mul3A_532 = vector.broadcast %mul3A_531 : f32 to vector<16xf32>
        %mul3A_533 = arith.mulf %get3A_530, %mul3A_532 : vector<16xf32>
        %swap3A_534 = arith.constant 1 : i32
        %swap3A_535 = arith.index_cast %swap3A_534 : i32 to index
        %swap3A_536 = arith.index_cast %add3A_524 : i32 to index
        %swap3A_537 = arith.constant 0 : index
        %swap3A_538 = tpu.vector_load %arg6[%swap3A_535, %swap3A_536, %swap3A_537] {strides = array<i32>} : memref<4x400x64xf32, #tpu.memory_space<vmem>>, vector<1x1x16xf32>,
        %swap3A_539 = vector.shape_cast %swap3A_538 : vector<1x1x16xf32> to vector<16xf32>
        %swap3A_540 = vector.shape_cast %mul3A_533 : vector<16xf32> to vector<1x1x16xf32>
        tpu.vector_store %arg6[%swap3A_535, %swap3A_536, %swap3A_537], %swap3A_540 {strides = array<i32>} : memref<4x400x64xf32, #tpu.memory_space<vmem>>, vector<1x1x16xf32>,
        %add3A_541 = arith.constant 3 : i32
        %add3A_542 = arith.addi %add3A_308, %add3A_541 : i32
        %get3A_543 = arith.constant 1 : i32
        %get3A_544 = arith.index_cast %get3A_543 : i32 to index
        %get3A_545 = arith.index_cast %add3A_542 : i32 to index
        %get3A_546 = arith.constant 16 : index
        %get3A_547 = tpu.vector_load %arg6[%get3A_544, %get3A_545, %get3A_546] {strides = array<i32>} : memref<4x400x64xf32, #tpu.memory_space<vmem>>, vector<1x1x16xf32>,
        %get3A_548 = vector.shape_cast %get3A_547 : vector<1x1x16xf32> to vector<16xf32>
        %mul3A_549 = arith.constant 8.000000e+00 : f32
        %mul3A_550 = vector.broadcast %mul3A_549 : f32 to vector<16xf32>
        %mul3A_551 = arith.mulf %get3A_548, %mul3A_550 : vector<16xf32>
        %swap3A_552 = arith.constant 1 : i32
        %swap3A_553 = arith.index_cast %swap3A_552 : i32 to index
        %swap3A_554 = arith.index_cast %add3A_542 : i32 to index
        %swap3A_555 = arith.constant 16 : index
        %swap3A_556 = tpu.vector_load %arg6[%swap3A_553, %swap3A_554, %swap3A_555] {strides = array<i32>} : memref<4x400x64xf32, #tpu.memory_space<vmem>>, vector<1x1x16xf32>,
        %swap3A_557 = vector.shape_cast %swap3A_556 : vector<1x1x16xf32> to vector<16xf32>
        %swap3A_558 = vector.shape_cast %mul3A_551 : vector<16xf32> to vector<1x1x16xf32>
        tpu.vector_store %arg6[%swap3A_553, %swap3A_554, %swap3A_555], %swap3A_558 {strides = array<i32>} : memref<4x400x64xf32, #tpu.memory_space<vmem>>, vector<1x1x16xf32>,
        %add3A_559 = arith.constant 3 : i32
        %add3A_560 = arith.addi %add3A_308, %add3A_559 : i32
        %get3A_561 = arith.constant 1 : i32
        %get3A_562 = arith.index_cast %get3A_561 : i32 to index
        %get3A_563 = arith.index_cast %add3A_560 : i32 to index
        %get3A_564 = arith.constant 32 : index
        %get3A_565 = tpu.vector_load %arg6[%get3A_562, %get3A_563, %get3A_564] {strides = array<i32>} : memref<4x400x64xf32, #tpu.memory_space<vmem>>, vector<1x1x16xf32>,
        %get3A_566 = vector.shape_cast %get3A_565 : vector<1x1x16xf32> to vector<16xf32>
        %mul3A_567 = arith.constant 8.000000e+00 : f32
        %mul3A_568 = vector.broadcast %mul3A_567 : f32 to vector<16xf32>
        %mul3A_569 = arith.mulf %get3A_566, %mul3A_568 : vector<16xf32>
        %swap3A_570 = arith.constant 1 : i32
        %swap3A_571 = arith.index_cast %swap3A_570 : i32 to index
        %swap3A_572 = arith.index_cast %add3A_560 : i32 to index
        %swap3A_573 = arith.constant 32 : index
        %swap3A_574 = tpu.vector_load %arg6[%swap3A_571, %swap3A_572, %swap3A_573] {strides = array<i32>} : memref<4x400x64xf32, #tpu.memory_space<vmem>>, vector<1x1x16xf32>,
        %swap3A_575 = vector.shape_cast %swap3A_574 : vector<1x1x16xf32> to vector<16xf32>
        %swap3A_576 = vector.shape_cast %mul3A_569 : vector<16xf32> to vector<1x1x16xf32>
        tpu.vector_store %arg6[%swap3A_571, %swap3A_572, %swap3A_573], %swap3A_576 {strides = array<i32>} : memref<4x400x64xf32, #tpu.memory_space<vmem>>, vector<1x1x16xf32>,
        %add3A_577 = arith.constant 3 : i32
        %add3A_578 = arith.addi %add3A_308, %add3A_577 : i32
        %get3A_579 = arith.constant 1 : i32
        %get3A_580 = arith.index_cast %get3A_579 : i32 to index
        %get3A_581 = arith.index_cast %add3A_578 : i32 to index
        %get3A_582 = arith.constant 48 : index
        %get3A_583 = tpu.vector_load %arg6[%get3A_580, %get3A_581, %get3A_582] {strides = array<i32>} : memref<4x400x64xf32, #tpu.memory_space<vmem>>, vector<1x1x16xf32>,
        %get3A_584 = vector.shape_cast %get3A_583 : vector<1x1x16xf32> to vector<16xf32>
        %mul3A_585 = arith.constant 8.000000e+00 : f32
        %mul3A_586 = vector.broadcast %mul3A_585 : f32 to vector<16xf32>
        %mul3A_587 = arith.mulf %get3A_584, %mul3A_586 : vector<16xf32>
        %swap3A_588 = arith.constant 1 : i32
        %swap3A_589 = arith.index_cast %swap3A_588 : i32 to index
        %swap3A_590 = arith.index_cast %add3A_578 : i32 to index
        %swap3A_591 = arith.constant 48 : index
        %swap3A_592 = tpu.vector_load %arg6[%swap3A_589, %swap3A_590, %swap3A_591] {strides = array<i32>} : memref<4x400x64xf32, #tpu.memory_space<vmem>>, vector<1x1x16xf32>,
        %swap3A_593 = vector.shape_cast %swap3A_592 : vector<1x1x16xf32> to vector<16xf32>
        %swap3A_594 = vector.shape_cast %mul3A_587 : vector<16xf32> to vector<1x1x16xf32>
        tpu.vector_store %arg6[%swap3A_589, %swap3A_590, %swap3A_591], %swap3A_594 {strides = array<i32>} : memref<4x400x64xf32, #tpu.memory_space<vmem>>, vector<1x1x16xf32>,
      }
      %scan3A_158 = arith.constant 100 : i32
      %mul3A_159 = arith.constant 400 : i32
      %mul3A_160 = arith.muli %add3A_143, %mul3A_159 : i32
      %add3A_161 = arith.addi %mul3A_2, %mul3A_160 : i32
      %dma_start3A_162 = arith.constant 1 : i32
      %dma_start3A_163 = arith.constant 0 : i32
      %dma_start3A_164 = arith.constant 0 : i32
      %dma_start3A_165 = tpu.memref_slice %arg6[%dma_start3A_162, %dma_start3A_163, %dma_start3A_164] : memref<4x400x64xf32, #tpu.memory_space<vmem>> -> memref<1x400x64xf32, #tpu.memory_space<vmem>>
      %dma_start3A_166 = tpu.memref_squeeze %dma_start3A_165 : memref<1x400x64xf32, #tpu.memory_space<vmem>> -> memref<400x64xf32, #tpu.memory_space<vmem>>
      %dma_start3A_167 = arith.constant 0 : i32
      %dma_start3A_168 = tpu.memref_slice %arg4[%add3A_161, %dma_start3A_167] : memref<819200x64xf32, #tpu.memory_space<hbm>> -> memref<400x64xf32, #tpu.memory_space<hbm>>
      %dma_start3A_169 = arith.constant 0 : i32
      %dma_start3A_170 = tpu.memref_slice %arg4[%add3A_161, %dma_start3A_169] : memref<819200x64xf32, #tpu.memory_space<hbm>> -> memref<400x64xf32, #tpu.memory_space<hbm>>
      %dma_start3A_171 = arith.constant 0 : i32
      %dma_start3A_172 = arith.constant 0 : i32
      %dma_start3A_173 = tpu.memref_slice %arg6[%dma_start3A_162, %dma_start3A_171, %dma_start3A_172] : memref<4x400x64xf32, #tpu.memory_space<vmem>> -> memref<1x400x64xf32, #tpu.memory_space<vmem>>
      %dma_start3A_174 = tpu.memref_squeeze %dma_start3A_173 : memref<1x400x64xf32, #tpu.memory_space<vmem>> -> memref<400x64xf32, #tpu.memory_space<vmem>>
      tpu.enqueue_dma source(%dma_start3A_174 : memref<400x64xf32, #tpu.memory_space<vmem>>) target(%dma_start3A_170 : memref<400x64xf32, #tpu.memory_space<hbm>>) target_semaphore(%arg12 : memref<!tpu.dma_semaphore, #tpu.memory_space<semaphore_mem>>)
      %ge3A_175 = arith.constant 1 : i32
      %ge3A_176 = arith.cmpi sge, %add3A_143, %ge3A_175 : i32
      %add3A_177 = arith.constant 4 : i32
      %add3A_178 = arith.addi %add3A_143, %add3A_177 : i32
      %sub3A_179 = arith.constant 1 : i32
      %sub3A_180 = arith.subi %add3A_178, %sub3A_179 : i32
      %lt3A_181 = arith.constant 64 : i32
      %lt3A_182 = arith.cmpi slt, %sub3A_180, %lt3A_181 : i32
      %and3A_183 = arith.andi %ge3A_176, %lt3A_182 : i1
      %convert_element_type3A_184 = arith.extui %and3A_183 : i1 to i32
      %cond3A_185 = arith.constant 0 : i32
      %cond3A_186 = arith.cmpi ne, %convert_element_type3A_184, %cond3A_185 : i32
      scf.if %cond3A_186 {
        %dma_wait3A_304 = arith.constant 0 : i32
        %dma_wait3A_305 = arith.constant 0 : i32
        %dma_wait3A_306 = arith.constant 0 : i32
        %dma_wait3A_307 = tpu.memref_slice %arg6[%dma_wait3A_304, %dma_wait3A_305, %dma_wait3A_306] : memref<4x400x64xf32, #tpu.memory_space<vmem>> -> memref<1x400x64xf32, #tpu.memory_space<vmem>>
        %dma_wait3A_308 = tpu.memref_squeeze %dma_wait3A_307 : memref<1x400x64xf32, #tpu.memory_space<vmem>> -> memref<400x64xf32, #tpu.memory_space<vmem>>
        %dma_wait3A_309 = arith.constant 0 : i32
        %dma_wait3A_310 = tpu.memref_slice %arg4[%mul3A_2, %dma_wait3A_309] : memref<819200x64xf32, #tpu.memory_space<hbm>> -> memref<400x64xf32, #tpu.memory_space<hbm>>
        %dma_wait3A_311 = arith.constant 0 : i32
        %dma_wait3A_312 = tpu.memref_slice %arg4[%mul3A_2, %dma_wait3A_311] : memref<819200x64xf32, #tpu.memory_space<hbm>> -> memref<400x64xf32, #tpu.memory_space<hbm>>
        %dma_wait3A_313 = arith.constant 0 : i32
        %dma_wait3A_314 = arith.constant 0 : i32
        %dma_wait3A_315 = tpu.memref_slice %arg6[%dma_wait3A_304, %dma_wait3A_313, %dma_wait3A_314] : memref<4x400x64xf32, #tpu.memory_space<vmem>> -> memref<1x400x64xf32, #tpu.memory_space<vmem>>
        %dma_wait3A_316 = tpu.memref_squeeze %dma_wait3A_315 : memref<1x400x64xf32, #tpu.memory_space<vmem>> -> memref<400x64xf32, #tpu.memory_space<vmem>>
        tpu.wait_dma2 semaphore(%arg11 : memref<!tpu.dma_semaphore, #tpu.memory_space<semaphore_mem>>) src(%dma_wait3A_316 : memref<400x64xf32, #tpu.memory_space<vmem>>) dst(%dma_wait3A_312 : memref<400x64xf32, #tpu.memory_space<hbm>>)
      } else {
      }
      %add3A_187 = arith.constant 4 : i32
      %add3A_188 = arith.addi %add3A_143, %add3A_187 : i32
      %sub3A_189 = arith.constant 1 : i32
      %sub3A_190 = arith.subi %add3A_188, %sub3A_189 : i32
      %lt3A_191 = arith.constant 64 : i32
      %lt3A_192 = arith.cmpi slt, %sub3A_190, %lt3A_191 : i32
      %convert_element_type3A_193 = arith.extui %lt3A_192 : i1 to i32
      %cond3A_194 = arith.constant 0 : i32
      %cond3A_195 = arith.cmpi ne, %convert_element_type3A_193, %cond3A_194 : i32
      scf.if %cond3A_195 {
        %add3A_304 = arith.constant 4 : i32
        %add3A_305 = arith.addi %add3A_143, %add3A_304 : i32
        %sub3A_306 = arith.constant 1 : i32
        %sub3A_307 = arith.subi %add3A_305, %sub3A_306 : i32
        %mul3A_308 = arith.constant 400 : i32
        %mul3A_309 = arith.muli %sub3A_307, %mul3A_308 : i32
        %dma_start3A_310 = arith.constant 0 : i32
        %dma_start3A_311 = arith.constant 0 : i32
        %dma_start3A_312 = arith.constant 0 : i32
        %dma_start3A_313 = tpu.memref_slice %arg6[%dma_start3A_310, %dma_start3A_311, %dma_start3A_312] : memref<4x400x64xf32, #tpu.memory_space<vmem>> -> memref<1x400x64xf32, #tpu.memory_space<vmem>>
        %dma_start3A_314 = tpu.memref_squeeze %dma_start3A_313 : memref<1x400x64xf32, #tpu.memory_space<vmem>> -> memref<400x64xf32, #tpu.memory_space<vmem>>
        %dma_start3A_315 = tpu.memref_slice %arg5[%mul3A_309] : memref<25600xi32, #tpu.memory_space<vmem>> -> memref<400xi32, #tpu.memory_space<vmem>>
        %dma_start3A_316 = arith.constant 0 : i32
        %dma_start3A_317 = arith.constant 0 : i32
        %dma_start3A_318 = tpu.memref_slice %arg3[%dma_start3A_316, %dma_start3A_317] : memref<1000000x64xf32, #tpu.memory_space<hbm>> -> memref<1000000x64xf32, #tpu.memory_space<hbm>>
        tpu.enqueue_indirect_dma source(%dma_start3A_318 : memref<1000000x64xf32, #tpu.memory_space<hbm>>) target(%dma_start3A_314 : memref<400x64xf32, #tpu.memory_space<vmem>>) offsets(%dma_start3A_315 : memref<400xi32, #tpu.memory_space<vmem>>) semaphore(%arg7 : memref<!tpu.dma_semaphore, #tpu.memory_space<semaphore_mem>>)
      } else {
      }
      %add3A_196 = arith.constant 2 : i32
      %add3A_197 = arith.addi %mul3A_93, %add3A_196 : i32
      %dma_wait3A_198 = arith.constant 2 : i32
      %dma_wait3A_199 = arith.constant 0 : i32
      %dma_wait3A_200 = arith.constant 0 : i32
      %dma_wait3A_201 = tpu.memref_slice %arg6[%dma_wait3A_198, %dma_wait3A_199, %dma_wait3A_200] : memref<4x400x64xf32, #tpu.memory_space<vmem>> -> memref<1x400x64xf32, #tpu.memory_space<vmem>>
      %dma_wait3A_202 = tpu.memref_squeeze %dma_wait3A_201 : memref<1x400x64xf32, #tpu.memory_space<vmem>> -> memref<400x64xf32, #tpu.memory_space<vmem>>
      %dma_wait3A_203 = arith.constant 0 : i32
      %dma_wait3A_204 = tpu.memref_slice %arg5[%dma_wait3A_203] : memref<25600xi32, #tpu.memory_space<vmem>> -> memref<400xi32, #tpu.memory_space<vmem>>
      %dma_wait3A_205 = arith.constant 0 : i32
      %dma_wait3A_206 = arith.constant 0 : i32
      %dma_wait3A_207 = tpu.memref_slice %arg3[%dma_wait3A_205, %dma_wait3A_206] : memref<1000000x64xf32, #tpu.memory_space<hbm>> -> memref<1000000x64xf32, #tpu.memory_space<hbm>>
      tpu.wait_indirect_dma semaphore(%arg9 : memref<!tpu.dma_semaphore, #tpu.memory_space<semaphore_mem>>) src(%dma_wait3A_207 : memref<1000000x64xf32, #tpu.memory_space<hbm>>) dst(%dma_wait3A_202 : memref<400x64xf32, #tpu.memory_space<vmem>>)
      %scan3A_208 = arith.constant 0 : i32
      %scan3A_209 = arith.constant 100 : i32
      %scan3A_210 = arith.addi %scan3A_208, %scan3A_209 : i32
      %scan3A_211 = arith.constant 1 : i32
      scf.for %scan3A_304 = %scan3A_208 to %scan3A_210 step %scan3A_211  : i32 {
        %mul3A_305 = arith.constant 4 : i32
        %mul3A_306 = arith.muli %scan3A_304, %mul3A_305 : i32
        %add3A_307 = arith.constant 0 : i32
        %add3A_308 = arith.addi %add3A_307, %mul3A_306 : i32
        %add3A_309 = arith.constant 0 : i32
        %add3A_310 = arith.addi %add3A_308, %add3A_309 : i32
        %get3A = arith.constant 2 : i32
        %get3A_311 = arith.index_cast %get3A : i32 to index
        %get3A_312 = arith.index_cast %add3A_310 : i32 to index
        %get3A_313 = arith.constant 0 : index
        %get3A_314 = tpu.vector_load %arg6[%get3A_311, %get3A_312, %get3A_313] {strides = array<i32>} : memref<4x400x64xf32, #tpu.memory_space<vmem>>, vector<1x1x16xf32>,
        %get3A_315 = vector.shape_cast %get3A_314 : vector<1x1x16xf32> to vector<16xf32>
        %mul3A_316 = arith.constant 8.000000e+00 : f32
        %mul3A_317 = vector.broadcast %mul3A_316 : f32 to vector<16xf32>
        %mul3A_318 = arith.mulf %get3A_315, %mul3A_317 : vector<16xf32>
        %swap3A = arith.constant 2 : i32
        %swap3A_319 = arith.index_cast %swap3A : i32 to index
        %swap3A_320 = arith.index_cast %add3A_310 : i32 to index
        %swap3A_321 = arith.constant 0 : index
        %swap3A_322 = tpu.vector_load %arg6[%swap3A_319, %swap3A_320, %swap3A_321] {strides = array<i32>} : memref<4x400x64xf32, #tpu.memory_space<vmem>>, vector<1x1x16xf32>,
        %swap3A_323 = vector.shape_cast %swap3A_322 : vector<1x1x16xf32> to vector<16xf32>
        %swap3A_324 = vector.shape_cast %mul3A_318 : vector<16xf32> to vector<1x1x16xf32>
        tpu.vector_store %arg6[%swap3A_319, %swap3A_320, %swap3A_321], %swap3A_324 {strides = array<i32>} : memref<4x400x64xf32, #tpu.memory_space<vmem>>, vector<1x1x16xf32>,
        %add3A_325 = arith.constant 0 : i32
        %add3A_326 = arith.addi %add3A_308, %add3A_325 : i32
        %get3A_327 = arith.constant 2 : i32
        %get3A_328 = arith.index_cast %get3A_327 : i32 to index
        %get3A_329 = arith.index_cast %add3A_326 : i32 to index
        %get3A_330 = arith.constant 16 : index
        %get3A_331 = tpu.vector_load %arg6[%get3A_328, %get3A_329, %get3A_330] {strides = array<i32>} : memref<4x400x64xf32, #tpu.memory_space<vmem>>, vector<1x1x16xf32>,
        %get3A_332 = vector.shape_cast %get3A_331 : vector<1x1x16xf32> to vector<16xf32>
        %mul3A_333 = arith.constant 8.000000e+00 : f32
        %mul3A_334 = vector.broadcast %mul3A_333 : f32 to vector<16xf32>
        %mul3A_335 = arith.mulf %get3A_332, %mul3A_334 : vector<16xf32>
        %swap3A_336 = arith.constant 2 : i32
        %swap3A_337 = arith.index_cast %swap3A_336 : i32 to index
        %swap3A_338 = arith.index_cast %add3A_326 : i32 to index
        %swap3A_339 = arith.constant 16 : index
        %swap3A_340 = tpu.vector_load %arg6[%swap3A_337, %swap3A_338, %swap3A_339] {strides = array<i32>} : memref<4x400x64xf32, #tpu.memory_space<vmem>>, vector<1x1x16xf32>,
        %swap3A_341 = vector.shape_cast %swap3A_340 : vector<1x1x16xf32> to vector<16xf32>
        %swap3A_342 = vector.shape_cast %mul3A_335 : vector<16xf32> to vector<1x1x16xf32>
        tpu.vector_store %arg6[%swap3A_337, %swap3A_338, %swap3A_339], %swap3A_342 {strides = array<i32>} : memref<4x400x64xf32, #tpu.memory_space<vmem>>, vector<1x1x16xf32>,
        %add3A_343 = arith.constant 0 : i32
        %add3A_344 = arith.addi %add3A_308, %add3A_343 : i32
        %get3A_345 = arith.constant 2 : i32
        %get3A_346 = arith.index_cast %get3A_345 : i32 to index
        %get3A_347 = arith.index_cast %add3A_344 : i32 to index
        %get3A_348 = arith.constant 32 : index
        %get3A_349 = tpu.vector_load %arg6[%get3A_346, %get3A_347, %get3A_348] {strides = array<i32>} : memref<4x400x64xf32, #tpu.memory_space<vmem>>, vector<1x1x16xf32>,
        %get3A_350 = vector.shape_cast %get3A_349 : vector<1x1x16xf32> to vector<16xf32>
        %mul3A_351 = arith.constant 8.000000e+00 : f32
        %mul3A_352 = vector.broadcast %mul3A_351 : f32 to vector<16xf32>
        %mul3A_353 = arith.mulf %get3A_350, %mul3A_352 : vector<16xf32>
        %swap3A_354 = arith.constant 2 : i32
        %swap3A_355 = arith.index_cast %swap3A_354 : i32 to index
        %swap3A_356 = arith.index_cast %add3A_344 : i32 to index
        %swap3A_357 = arith.constant 32 : index
        %swap3A_358 = tpu.vector_load %arg6[%swap3A_355, %swap3A_356, %swap3A_357] {strides = array<i32>} : memref<4x400x64xf32, #tpu.memory_space<vmem>>, vector<1x1x16xf32>,
        %swap3A_359 = vector.shape_cast %swap3A_358 : vector<1x1x16xf32> to vector<16xf32>
        %swap3A_360 = vector.shape_cast %mul3A_353 : vector<16xf32> to vector<1x1x16xf32>
        tpu.vector_store %arg6[%swap3A_355, %swap3A_356, %swap3A_357], %swap3A_360 {strides = array<i32>} : memref<4x400x64xf32, #tpu.memory_space<vmem>>, vector<1x1x16xf32>,
        %add3A_361 = arith.constant 0 : i32
        %add3A_362 = arith.addi %add3A_308, %add3A_361 : i32
        %get3A_363 = arith.constant 2 : i32
        %get3A_364 = arith.index_cast %get3A_363 : i32 to index
        %get3A_365 = arith.index_cast %add3A_362 : i32 to index
        %get3A_366 = arith.constant 48 : index
        %get3A_367 = tpu.vector_load %arg6[%get3A_364, %get3A_365, %get3A_366] {strides = array<i32>} : memref<4x400x64xf32, #tpu.memory_space<vmem>>, vector<1x1x16xf32>,
        %get3A_368 = vector.shape_cast %get3A_367 : vector<1x1x16xf32> to vector<16xf32>
        %mul3A_369 = arith.constant 8.000000e+00 : f32
        %mul3A_370 = vector.broadcast %mul3A_369 : f32 to vector<16xf32>
        %mul3A_371 = arith.mulf %get3A_368, %mul3A_370 : vector<16xf32>
        %swap3A_372 = arith.constant 2 : i32
        %swap3A_373 = arith.index_cast %swap3A_372 : i32 to index
        %swap3A_374 = arith.index_cast %add3A_362 : i32 to index
        %swap3A_375 = arith.constant 48 : index
        %swap3A_376 = tpu.vector_load %arg6[%swap3A_373, %swap3A_374, %swap3A_375] {strides = array<i32>} : memref<4x400x64xf32, #tpu.memory_space<vmem>>, vector<1x1x16xf32>,
        %swap3A_377 = vector.shape_cast %swap3A_376 : vector<1x1x16xf32> to vector<16xf32>
        %swap3A_378 = vector.shape_cast %mul3A_371 : vector<16xf32> to vector<1x1x16xf32>
        tpu.vector_store %arg6[%swap3A_373, %swap3A_374, %swap3A_375], %swap3A_378 {strides = array<i32>} : memref<4x400x64xf32, #tpu.memory_space<vmem>>, vector<1x1x16xf32>,
        %add3A_379 = arith.constant 1 : i32
        %add3A_380 = arith.addi %add3A_308, %add3A_379 : i32
        %get3A_381 = arith.constant 2 : i32
        %get3A_382 = arith.index_cast %get3A_381 : i32 to index
        %get3A_383 = arith.index_cast %add3A_380 : i32 to index
        %get3A_384 = arith.constant 0 : index
        %get3A_385 = tpu.vector_load %arg6[%get3A_382, %get3A_383, %get3A_384] {strides = array<i32>} : memref<4x400x64xf32, #tpu.memory_space<vmem>>, vector<1x1x16xf32>,
        %get3A_386 = vector.shape_cast %get3A_385 : vector<1x1x16xf32> to vector<16xf32>
        %mul3A_387 = arith.constant 8.000000e+00 : f32
        %mul3A_388 = vector.broadcast %mul3A_387 : f32 to vector<16xf32>
        %mul3A_389 = arith.mulf %get3A_386, %mul3A_388 : vector<16xf32>
        %swap3A_390 = arith.constant 2 : i32
        %swap3A_391 = arith.index_cast %swap3A_390 : i32 to index
        %swap3A_392 = arith.index_cast %add3A_380 : i32 to index
        %swap3A_393 = arith.constant 0 : index
        %swap3A_394 = tpu.vector_load %arg6[%swap3A_391, %swap3A_392, %swap3A_393] {strides = array<i32>} : memref<4x400x64xf32, #tpu.memory_space<vmem>>, vector<1x1x16xf32>,
        %swap3A_395 = vector.shape_cast %swap3A_394 : vector<1x1x16xf32> to vector<16xf32>
        %swap3A_396 = vector.shape_cast %mul3A_389 : vector<16xf32> to vector<1x1x16xf32>
        tpu.vector_store %arg6[%swap3A_391, %swap3A_392, %swap3A_393], %swap3A_396 {strides = array<i32>} : memref<4x400x64xf32, #tpu.memory_space<vmem>>, vector<1x1x16xf32>,
        %add3A_397 = arith.constant 1 : i32
        %add3A_398 = arith.addi %add3A_308, %add3A_397 : i32
        %get3A_399 = arith.constant 2 : i32
        %get3A_400 = arith.index_cast %get3A_399 : i32 to index
        %get3A_401 = arith.index_cast %add3A_398 : i32 to index
        %get3A_402 = arith.constant 16 : index
        %get3A_403 = tpu.vector_load %arg6[%get3A_400, %get3A_401, %get3A_402] {strides = array<i32>} : memref<4x400x64xf32, #tpu.memory_space<vmem>>, vector<1x1x16xf32>,
        %get3A_404 = vector.shape_cast %get3A_403 : vector<1x1x16xf32> to vector<16xf32>
        %mul3A_405 = arith.constant 8.000000e+00 : f32
        %mul3A_406 = vector.broadcast %mul3A_405 : f32 to vector<16xf32>
        %mul3A_407 = arith.mulf %get3A_404, %mul3A_406 : vector<16xf32>
        %swap3A_408 = arith.constant 2 : i32
        %swap3A_409 = arith.index_cast %swap3A_408 : i32 to index
        %swap3A_410 = arith.index_cast %add3A_398 : i32 to index
        %swap3A_411 = arith.constant 16 : index
        %swap3A_412 = tpu.vector_load %arg6[%swap3A_409, %swap3A_410, %swap3A_411] {strides = array<i32>} : memref<4x400x64xf32, #tpu.memory_space<vmem>>, vector<1x1x16xf32>,
        %swap3A_413 = vector.shape_cast %swap3A_412 : vector<1x1x16xf32> to vector<16xf32>
        %swap3A_414 = vector.shape_cast %mul3A_407 : vector<16xf32> to vector<1x1x16xf32>
        tpu.vector_store %arg6[%swap3A_409, %swap3A_410, %swap3A_411], %swap3A_414 {strides = array<i32>} : memref<4x400x64xf32, #tpu.memory_space<vmem>>, vector<1x1x16xf32>,
        %add3A_415 = arith.constant 1 : i32
        %add3A_416 = arith.addi %add3A_308, %add3A_415 : i32
        %get3A_417 = arith.constant 2 : i32
        %get3A_418 = arith.index_cast %get3A_417 : i32 to index
        %get3A_419 = arith.index_cast %add3A_416 : i32 to index
        %get3A_420 = arith.constant 32 : index
        %get3A_421 = tpu.vector_load %arg6[%get3A_418, %get3A_419, %get3A_420] {strides = array<i32>} : memref<4x400x64xf32, #tpu.memory_space<vmem>>, vector<1x1x16xf32>,
        %get3A_422 = vector.shape_cast %get3A_421 : vector<1x1x16xf32> to vector<16xf32>
        %mul3A_423 = arith.constant 8.000000e+00 : f32
        %mul3A_424 = vector.broadcast %mul3A_423 : f32 to vector<16xf32>
        %mul3A_425 = arith.mulf %get3A_422, %mul3A_424 : vector<16xf32>
        %swap3A_426 = arith.constant 2 : i32
        %swap3A_427 = arith.index_cast %swap3A_426 : i32 to index
        %swap3A_428 = arith.index_cast %add3A_416 : i32 to index
        %swap3A_429 = arith.constant 32 : index
        %swap3A_430 = tpu.vector_load %arg6[%swap3A_427, %swap3A_428, %swap3A_429] {strides = array<i32>} : memref<4x400x64xf32, #tpu.memory_space<vmem>>, vector<1x1x16xf32>,
        %swap3A_431 = vector.shape_cast %swap3A_430 : vector<1x1x16xf32> to vector<16xf32>
        %swap3A_432 = vector.shape_cast %mul3A_425 : vector<16xf32> to vector<1x1x16xf32>
        tpu.vector_store %arg6[%swap3A_427, %swap3A_428, %swap3A_429], %swap3A_432 {strides = array<i32>} : memref<4x400x64xf32, #tpu.memory_space<vmem>>, vector<1x1x16xf32>,
        %add3A_433 = arith.constant 1 : i32
        %add3A_434 = arith.addi %add3A_308, %add3A_433 : i32
        %get3A_435 = arith.constant 2 : i32
        %get3A_436 = arith.index_cast %get3A_435 : i32 to index
        %get3A_437 = arith.index_cast %add3A_434 : i32 to index
        %get3A_438 = arith.constant 48 : index
        %get3A_439 = tpu.vector_load %arg6[%get3A_436, %get3A_437, %get3A_438] {strides = array<i32>} : memref<4x400x64xf32, #tpu.memory_space<vmem>>, vector<1x1x16xf32>,
        %get3A_440 = vector.shape_cast %get3A_439 : vector<1x1x16xf32> to vector<16xf32>
        %mul3A_441 = arith.constant 8.000000e+00 : f32
        %mul3A_442 = vector.broadcast %mul3A_441 : f32 to vector<16xf32>
        %mul3A_443 = arith.mulf %get3A_440, %mul3A_442 : vector<16xf32>
        %swap3A_444 = arith.constant 2 : i32
        %swap3A_445 = arith.index_cast %swap3A_444 : i32 to index
        %swap3A_446 = arith.index_cast %add3A_434 : i32 to index
        %swap3A_447 = arith.constant 48 : index
        %swap3A_448 = tpu.vector_load %arg6[%swap3A_445, %swap3A_446, %swap3A_447] {strides = array<i32>} : memref<4x400x64xf32, #tpu.memory_space<vmem>>, vector<1x1x16xf32>,
        %swap3A_449 = vector.shape_cast %swap3A_448 : vector<1x1x16xf32> to vector<16xf32>
        %swap3A_450 = vector.shape_cast %mul3A_443 : vector<16xf32> to vector<1x1x16xf32>
        tpu.vector_store %arg6[%swap3A_445, %swap3A_446, %swap3A_447], %swap3A_450 {strides = array<i32>} : memref<4x400x64xf32, #tpu.memory_space<vmem>>, vector<1x1x16xf32>,
        %add3A_451 = arith.constant 2 : i32
        %add3A_452 = arith.addi %add3A_308, %add3A_451 : i32
        %get3A_453 = arith.constant 2 : i32
        %get3A_454 = arith.index_cast %get3A_453 : i32 to index
        %get3A_455 = arith.index_cast %add3A_452 : i32 to index
        %get3A_456 = arith.constant 0 : index
        %get3A_457 = tpu.vector_load %arg6[%get3A_454, %get3A_455, %get3A_456] {strides = array<i32>} : memref<4x400x64xf32, #tpu.memory_space<vmem>>, vector<1x1x16xf32>,
        %get3A_458 = vector.shape_cast %get3A_457 : vector<1x1x16xf32> to vector<16xf32>
        %mul3A_459 = arith.constant 8.000000e+00 : f32
        %mul3A_460 = vector.broadcast %mul3A_459 : f32 to vector<16xf32>
        %mul3A_461 = arith.mulf %get3A_458, %mul3A_460 : vector<16xf32>
        %swap3A_462 = arith.constant 2 : i32
        %swap3A_463 = arith.index_cast %swap3A_462 : i32 to index
        %swap3A_464 = arith.index_cast %add3A_452 : i32 to index
        %swap3A_465 = arith.constant 0 : index
        %swap3A_466 = tpu.vector_load %arg6[%swap3A_463, %swap3A_464, %swap3A_465] {strides = array<i32>} : memref<4x400x64xf32, #tpu.memory_space<vmem>>, vector<1x1x16xf32>,
        %swap3A_467 = vector.shape_cast %swap3A_466 : vector<1x1x16xf32> to vector<16xf32>
        %swap3A_468 = vector.shape_cast %mul3A_461 : vector<16xf32> to vector<1x1x16xf32>
        tpu.vector_store %arg6[%swap3A_463, %swap3A_464, %swap3A_465], %swap3A_468 {strides = array<i32>} : memref<4x400x64xf32, #tpu.memory_space<vmem>>, vector<1x1x16xf32>,
        %add3A_469 = arith.constant 2 : i32
        %add3A_470 = arith.addi %add3A_308, %add3A_469 : i32
        %get3A_471 = arith.constant 2 : i32
        %get3A_472 = arith.index_cast %get3A_471 : i32 to index
        %get3A_473 = arith.index_cast %add3A_470 : i32 to index
        %get3A_474 = arith.constant 16 : index
        %get3A_475 = tpu.vector_load %arg6[%get3A_472, %get3A_473, %get3A_474] {strides = array<i32>} : memref<4x400x64xf32, #tpu.memory_space<vmem>>, vector<1x1x16xf32>,
        %get3A_476 = vector.shape_cast %get3A_475 : vector<1x1x16xf32> to vector<16xf32>
        %mul3A_477 = arith.constant 8.000000e+00 : f32
        %mul3A_478 = vector.broadcast %mul3A_477 : f32 to vector<16xf32>
        %mul3A_479 = arith.mulf %get3A_476, %mul3A_478 : vector<16xf32>
        %swap3A_480 = arith.constant 2 : i32
        %swap3A_481 = arith.index_cast %swap3A_480 : i32 to index
        %swap3A_482 = arith.index_cast %add3A_470 : i32 to index
        %swap3A_483 = arith.constant 16 : index
        %swap3A_484 = tpu.vector_load %arg6[%swap3A_481, %swap3A_482, %swap3A_483] {strides = array<i32>} : memref<4x400x64xf32, #tpu.memory_space<vmem>>, vector<1x1x16xf32>,
        %swap3A_485 = vector.shape_cast %swap3A_484 : vector<1x1x16xf32> to vector<16xf32>
        %swap3A_486 = vector.shape_cast %mul3A_479 : vector<16xf32> to vector<1x1x16xf32>
        tpu.vector_store %arg6[%swap3A_481, %swap3A_482, %swap3A_483], %swap3A_486 {strides = array<i32>} : memref<4x400x64xf32, #tpu.memory_space<vmem>>, vector<1x1x16xf32>,
        %add3A_487 = arith.constant 2 : i32
        %add3A_488 = arith.addi %add3A_308, %add3A_487 : i32
        %get3A_489 = arith.constant 2 : i32
        %get3A_490 = arith.index_cast %get3A_489 : i32 to index
        %get3A_491 = arith.index_cast %add3A_488 : i32 to index
        %get3A_492 = arith.constant 32 : index
        %get3A_493 = tpu.vector_load %arg6[%get3A_490, %get3A_491, %get3A_492] {strides = array<i32>} : memref<4x400x64xf32, #tpu.memory_space<vmem>>, vector<1x1x16xf32>,
        %get3A_494 = vector.shape_cast %get3A_493 : vector<1x1x16xf32> to vector<16xf32>
        %mul3A_495 = arith.constant 8.000000e+00 : f32
        %mul3A_496 = vector.broadcast %mul3A_495 : f32 to vector<16xf32>
        %mul3A_497 = arith.mulf %get3A_494, %mul3A_496 : vector<16xf32>
        %swap3A_498 = arith.constant 2 : i32
        %swap3A_499 = arith.index_cast %swap3A_498 : i32 to index
        %swap3A_500 = arith.index_cast %add3A_488 : i32 to index
        %swap3A_501 = arith.constant 32 : index
        %swap3A_502 = tpu.vector_load %arg6[%swap3A_499, %swap3A_500, %swap3A_501] {strides = array<i32>} : memref<4x400x64xf32, #tpu.memory_space<vmem>>, vector<1x1x16xf32>,
        %swap3A_503 = vector.shape_cast %swap3A_502 : vector<1x1x16xf32> to vector<16xf32>
        %swap3A_504 = vector.shape_cast %mul3A_497 : vector<16xf32> to vector<1x1x16xf32>
        tpu.vector_store %arg6[%swap3A_499, %swap3A_500, %swap3A_501], %swap3A_504 {strides = array<i32>} : memref<4x400x64xf32, #tpu.memory_space<vmem>>, vector<1x1x16xf32>,
        %add3A_505 = arith.constant 2 : i32
        %add3A_506 = arith.addi %add3A_308, %add3A_505 : i32
        %get3A_507 = arith.constant 2 : i32
        %get3A_508 = arith.index_cast %get3A_507 : i32 to index
        %get3A_509 = arith.index_cast %add3A_506 : i32 to index
        %get3A_510 = arith.constant 48 : index
        %get3A_511 = tpu.vector_load %arg6[%get3A_508, %get3A_509, %get3A_510] {strides = array<i32>} : memref<4x400x64xf32, #tpu.memory_space<vmem>>, vector<1x1x16xf32>,
        %get3A_512 = vector.shape_cast %get3A_511 : vector<1x1x16xf32> to vector<16xf32>
        %mul3A_513 = arith.constant 8.000000e+00 : f32
        %mul3A_514 = vector.broadcast %mul3A_513 : f32 to vector<16xf32>
        %mul3A_515 = arith.mulf %get3A_512, %mul3A_514 : vector<16xf32>
        %swap3A_516 = arith.constant 2 : i32
        %swap3A_517 = arith.index_cast %swap3A_516 : i32 to index
        %swap3A_518 = arith.index_cast %add3A_506 : i32 to index
        %swap3A_519 = arith.constant 48 : index
        %swap3A_520 = tpu.vector_load %arg6[%swap3A_517, %swap3A_518, %swap3A_519] {strides = array<i32>} : memref<4x400x64xf32, #tpu.memory_space<vmem>>, vector<1x1x16xf32>,
        %swap3A_521 = vector.shape_cast %swap3A_520 : vector<1x1x16xf32> to vector<16xf32>
        %swap3A_522 = vector.shape_cast %mul3A_515 : vector<16xf32> to vector<1x1x16xf32>
        tpu.vector_store %arg6[%swap3A_517, %swap3A_518, %swap3A_519], %swap3A_522 {strides = array<i32>} : memref<4x400x64xf32, #tpu.memory_space<vmem>>, vector<1x1x16xf32>,
        %add3A_523 = arith.constant 3 : i32
        %add3A_524 = arith.addi %add3A_308, %add3A_523 : i32
        %get3A_525 = arith.constant 2 : i32
        %get3A_526 = arith.index_cast %get3A_525 : i32 to index
        %get3A_527 = arith.index_cast %add3A_524 : i32 to index
        %get3A_528 = arith.constant 0 : index
        %get3A_529 = tpu.vector_load %arg6[%get3A_526, %get3A_527, %get3A_528] {strides = array<i32>} : memref<4x400x64xf32, #tpu.memory_space<vmem>>, vector<1x1x16xf32>,
        %get3A_530 = vector.shape_cast %get3A_529 : vector<1x1x16xf32> to vector<16xf32>
        %mul3A_531 = arith.constant 8.000000e+00 : f32
        %mul3A_532 = vector.broadcast %mul3A_531 : f32 to vector<16xf32>
        %mul3A_533 = arith.mulf %get3A_530, %mul3A_532 : vector<16xf32>
        %swap3A_534 = arith.constant 2 : i32
        %swap3A_535 = arith.index_cast %swap3A_534 : i32 to index
        %swap3A_536 = arith.index_cast %add3A_524 : i32 to index
        %swap3A_537 = arith.constant 0 : index
        %swap3A_538 = tpu.vector_load %arg6[%swap3A_535, %swap3A_536, %swap3A_537] {strides = array<i32>} : memref<4x400x64xf32, #tpu.memory_space<vmem>>, vector<1x1x16xf32>,
        %swap3A_539 = vector.shape_cast %swap3A_538 : vector<1x1x16xf32> to vector<16xf32>
        %swap3A_540 = vector.shape_cast %mul3A_533 : vector<16xf32> to vector<1x1x16xf32>
        tpu.vector_store %arg6[%swap3A_535, %swap3A_536, %swap3A_537], %swap3A_540 {strides = array<i32>} : memref<4x400x64xf32, #tpu.memory_space<vmem>>, vector<1x1x16xf32>,
        %add3A_541 = arith.constant 3 : i32
        %add3A_542 = arith.addi %add3A_308, %add3A_541 : i32
        %get3A_543 = arith.constant 2 : i32
        %get3A_544 = arith.index_cast %get3A_543 : i32 to index
        %get3A_545 = arith.index_cast %add3A_542 : i32 to index
        %get3A_546 = arith.constant 16 : index
        %get3A_547 = tpu.vector_load %arg6[%get3A_544, %get3A_545, %get3A_546] {strides = array<i32>} : memref<4x400x64xf32, #tpu.memory_space<vmem>>, vector<1x1x16xf32>,
        %get3A_548 = vector.shape_cast %get3A_547 : vector<1x1x16xf32> to vector<16xf32>
        %mul3A_549 = arith.constant 8.000000e+00 : f32
        %mul3A_550 = vector.broadcast %mul3A_549 : f32 to vector<16xf32>
        %mul3A_551 = arith.mulf %get3A_548, %mul3A_550 : vector<16xf32>
        %swap3A_552 = arith.constant 2 : i32
        %swap3A_553 = arith.index_cast %swap3A_552 : i32 to index
        %swap3A_554 = arith.index_cast %add3A_542 : i32 to index
        %swap3A_555 = arith.constant 16 : index
        %swap3A_556 = tpu.vector_load %arg6[%swap3A_553, %swap3A_554, %swap3A_555] {strides = array<i32>} : memref<4x400x64xf32, #tpu.memory_space<vmem>>, vector<1x1x16xf32>,
        %swap3A_557 = vector.shape_cast %swap3A_556 : vector<1x1x16xf32> to vector<16xf32>
        %swap3A_558 = vector.shape_cast %mul3A_551 : vector<16xf32> to vector<1x1x16xf32>
        tpu.vector_store %arg6[%swap3A_553, %swap3A_554, %swap3A_555], %swap3A_558 {strides = array<i32>} : memref<4x400x64xf32, #tpu.memory_space<vmem>>, vector<1x1x16xf32>,
        %add3A_559 = arith.constant 3 : i32
        %add3A_560 = arith.addi %add3A_308, %add3A_559 : i32
        %get3A_561 = arith.constant 2 : i32
        %get3A_562 = arith.index_cast %get3A_561 : i32 to index
        %get3A_563 = arith.index_cast %add3A_560 : i32 to index
        %get3A_564 = arith.constant 32 : index
        %get3A_565 = tpu.vector_load %arg6[%get3A_562, %get3A_563, %get3A_564] {strides = array<i32>} : memref<4x400x64xf32, #tpu.memory_space<vmem>>, vector<1x1x16xf32>,
        %get3A_566 = vector.shape_cast %get3A_565 : vector<1x1x16xf32> to vector<16xf32>
        %mul3A_567 = arith.constant 8.000000e+00 : f32
        %mul3A_568 = vector.broadcast %mul3A_567 : f32 to vector<16xf32>
        %mul3A_569 = arith.mulf %get3A_566, %mul3A_568 : vector<16xf32>
        %swap3A_570 = arith.constant 2 : i32
        %swap3A_571 = arith.index_cast %swap3A_570 : i32 to index
        %swap3A_572 = arith.index_cast %add3A_560 : i32 to index
        %swap3A_573 = arith.constant 32 : index
        %swap3A_574 = tpu.vector_load %arg6[%swap3A_571, %swap3A_572, %swap3A_573] {strides = array<i32>} : memref<4x400x64xf32, #tpu.memory_space<vmem>>, vector<1x1x16xf32>,
        %swap3A_575 = vector.shape_cast %swap3A_574 : vector<1x1x16xf32> to vector<16xf32>
        %swap3A_576 = vector.shape_cast %mul3A_569 : vector<16xf32> to vector<1x1x16xf32>
        tpu.vector_store %arg6[%swap3A_571, %swap3A_572, %swap3A_573], %swap3A_576 {strides = array<i32>} : memref<4x400x64xf32, #tpu.memory_space<vmem>>, vector<1x1x16xf32>,
        %add3A_577 = arith.constant 3 : i32
        %add3A_578 = arith.addi %add3A_308, %add3A_577 : i32
        %get3A_579 = arith.constant 2 : i32
        %get3A_580 = arith.index_cast %get3A_579 : i32 to index
        %get3A_581 = arith.index_cast %add3A_578 : i32 to index
        %get3A_582 = arith.constant 48 : index
        %get3A_583 = tpu.vector_load %arg6[%get3A_580, %get3A_581, %get3A_582] {strides = array<i32>} : memref<4x400x64xf32, #tpu.memory_space<vmem>>, vector<1x1x16xf32>,
        %get3A_584 = vector.shape_cast %get3A_583 : vector<1x1x16xf32> to vector<16xf32>
        %mul3A_585 = arith.constant 8.000000e+00 : f32
        %mul3A_586 = vector.broadcast %mul3A_585 : f32 to vector<16xf32>
        %mul3A_587 = arith.mulf %get3A_584, %mul3A_586 : vector<16xf32>
        %swap3A_588 = arith.constant 2 : i32
        %swap3A_589 = arith.index_cast %swap3A_588 : i32 to index
        %swap3A_590 = arith.index_cast %add3A_578 : i32 to index
        %swap3A_591 = arith.constant 48 : index
        %swap3A_592 = tpu.vector_load %arg6[%swap3A_589, %swap3A_590, %swap3A_591] {strides = array<i32>} : memref<4x400x64xf32, #tpu.memory_space<vmem>>, vector<1x1x16xf32>,
        %swap3A_593 = vector.shape_cast %swap3A_592 : vector<1x1x16xf32> to vector<16xf32>
        %swap3A_594 = vector.shape_cast %mul3A_587 : vector<16xf32> to vector<1x1x16xf32>
        tpu.vector_store %arg6[%swap3A_589, %swap3A_590, %swap3A_591], %swap3A_594 {strides = array<i32>} : memref<4x400x64xf32, #tpu.memory_space<vmem>>, vector<1x1x16xf32>,
      }
      %scan3A_212 = arith.constant 100 : i32
      %mul3A_213 = arith.constant 400 : i32
      %mul3A_214 = arith.muli %add3A_197, %mul3A_213 : i32
      %add3A_215 = arith.addi %mul3A_2, %mul3A_214 : i32
      %dma_start3A_216 = arith.constant 2 : i32
      %dma_start3A_217 = arith.constant 0 : i32
      %dma_start3A_218 = arith.constant 0 : i32
      %dma_start3A_219 = tpu.memref_slice %arg6[%dma_start3A_216, %dma_start3A_217, %dma_start3A_218] : memref<4x400x64xf32, #tpu.memory_space<vmem>> -> memref<1x400x64xf32, #tpu.memory_space<vmem>>
      %dma_start3A_220 = tpu.memref_squeeze %dma_start3A_219 : memref<1x400x64xf32, #tpu.memory_space<vmem>> -> memref<400x64xf32, #tpu.memory_space<vmem>>
      %dma_start3A_221 = arith.constant 0 : i32
      %dma_start3A_222 = tpu.memref_slice %arg4[%add3A_215, %dma_start3A_221] : memref<819200x64xf32, #tpu.memory_space<hbm>> -> memref<400x64xf32, #tpu.memory_space<hbm>>
      %dma_start3A_223 = arith.constant 0 : i32
      %dma_start3A_224 = tpu.memref_slice %arg4[%add3A_215, %dma_start3A_223] : memref<819200x64xf32, #tpu.memory_space<hbm>> -> memref<400x64xf32, #tpu.memory_space<hbm>>
      %dma_start3A_225 = arith.constant 0 : i32
      %dma_start3A_226 = arith.constant 0 : i32
      %dma_start3A_227 = tpu.memref_slice %arg6[%dma_start3A_216, %dma_start3A_225, %dma_start3A_226] : memref<4x400x64xf32, #tpu.memory_space<vmem>> -> memref<1x400x64xf32, #tpu.memory_space<vmem>>
      %dma_start3A_228 = tpu.memref_squeeze %dma_start3A_227 : memref<1x400x64xf32, #tpu.memory_space<vmem>> -> memref<400x64xf32, #tpu.memory_space<vmem>>
      tpu.enqueue_dma source(%dma_start3A_228 : memref<400x64xf32, #tpu.memory_space<vmem>>) target(%dma_start3A_224 : memref<400x64xf32, #tpu.memory_space<hbm>>) target_semaphore(%arg13 : memref<!tpu.dma_semaphore, #tpu.memory_space<semaphore_mem>>)
      %ge3A_229 = arith.constant 1 : i32
      %ge3A_230 = arith.cmpi sge, %add3A_197, %ge3A_229 : i32
      %add3A_231 = arith.constant 4 : i32
      %add3A_232 = arith.addi %add3A_197, %add3A_231 : i32
      %sub3A_233 = arith.constant 1 : i32
      %sub3A_234 = arith.subi %add3A_232, %sub3A_233 : i32
      %lt3A_235 = arith.constant 64 : i32
      %lt3A_236 = arith.cmpi slt, %sub3A_234, %lt3A_235 : i32
      %and3A_237 = arith.andi %ge3A_230, %lt3A_236 : i1
      %convert_element_type3A_238 = arith.extui %and3A_237 : i1 to i32
      %cond3A_239 = arith.constant 0 : i32
      %cond3A_240 = arith.cmpi ne, %convert_element_type3A_238, %cond3A_239 : i32
      scf.if %cond3A_240 {
        %dma_wait3A_304 = arith.constant 1 : i32
        %dma_wait3A_305 = arith.constant 0 : i32
        %dma_wait3A_306 = arith.constant 0 : i32
        %dma_wait3A_307 = tpu.memref_slice %arg6[%dma_wait3A_304, %dma_wait3A_305, %dma_wait3A_306] : memref<4x400x64xf32, #tpu.memory_space<vmem>> -> memref<1x400x64xf32, #tpu.memory_space<vmem>>
        %dma_wait3A_308 = tpu.memref_squeeze %dma_wait3A_307 : memref<1x400x64xf32, #tpu.memory_space<vmem>> -> memref<400x64xf32, #tpu.memory_space<vmem>>
        %dma_wait3A_309 = arith.constant 0 : i32
        %dma_wait3A_310 = tpu.memref_slice %arg4[%mul3A_2, %dma_wait3A_309] : memref<819200x64xf32, #tpu.memory_space<hbm>> -> memref<400x64xf32, #tpu.memory_space<hbm>>
        %dma_wait3A_311 = arith.constant 0 : i32
        %dma_wait3A_312 = tpu.memref_slice %arg4[%mul3A_2, %dma_wait3A_311] : memref<819200x64xf32, #tpu.memory_space<hbm>> -> memref<400x64xf32, #tpu.memory_space<hbm>>
        %dma_wait3A_313 = arith.constant 0 : i32
        %dma_wait3A_314 = arith.constant 0 : i32
        %dma_wait3A_315 = tpu.memref_slice %arg6[%dma_wait3A_304, %dma_wait3A_313, %dma_wait3A_314] : memref<4x400x64xf32, #tpu.memory_space<vmem>> -> memref<1x400x64xf32, #tpu.memory_space<vmem>>
        %dma_wait3A_316 = tpu.memref_squeeze %dma_wait3A_315 : memref<1x400x64xf32, #tpu.memory_space<vmem>> -> memref<400x64xf32, #tpu.memory_space<vmem>>
        tpu.wait_dma2 semaphore(%arg12 : memref<!tpu.dma_semaphore, #tpu.memory_space<semaphore_mem>>) src(%dma_wait3A_316 : memref<400x64xf32, #tpu.memory_space<vmem>>) dst(%dma_wait3A_312 : memref<400x64xf32, #tpu.memory_space<hbm>>)
      } else {
      }
      %add3A_241 = arith.constant 4 : i32
      %add3A_242 = arith.addi %add3A_197, %add3A_241 : i32
      %sub3A_243 = arith.constant 1 : i32
      %sub3A_244 = arith.subi %add3A_242, %sub3A_243 : i32
      %lt3A_245 = arith.constant 64 : i32
      %lt3A_246 = arith.cmpi slt, %sub3A_244, %lt3A_245 : i32
      %convert_element_type3A_247 = arith.extui %lt3A_246 : i1 to i32
      %cond3A_248 = arith.constant 0 : i32
      %cond3A_249 = arith.cmpi ne, %convert_element_type3A_247, %cond3A_248 : i32
      scf.if %cond3A_249 {
        %add3A_304 = arith.constant 4 : i32
        %add3A_305 = arith.addi %add3A_197, %add3A_304 : i32
        %sub3A_306 = arith.constant 1 : i32
        %sub3A_307 = arith.subi %add3A_305, %sub3A_306 : i32
        %mul3A_308 = arith.constant 400 : i32
        %mul3A_309 = arith.muli %sub3A_307, %mul3A_308 : i32
        %dma_start3A_310 = arith.constant 1 : i32
        %dma_start3A_311 = arith.constant 0 : i32
        %dma_start3A_312 = arith.constant 0 : i32
        %dma_start3A_313 = tpu.memref_slice %arg6[%dma_start3A_310, %dma_start3A_311, %dma_start3A_312] : memref<4x400x64xf32, #tpu.memory_space<vmem>> -> memref<1x400x64xf32, #tpu.memory_space<vmem>>
        %dma_start3A_314 = tpu.memref_squeeze %dma_start3A_313 : memref<1x400x64xf32, #tpu.memory_space<vmem>> -> memref<400x64xf32, #tpu.memory_space<vmem>>
        %dma_start3A_315 = tpu.memref_slice %arg5[%mul3A_309] : memref<25600xi32, #tpu.memory_space<vmem>> -> memref<400xi32, #tpu.memory_space<vmem>>
        %dma_start3A_316 = arith.constant 0 : i32
        %dma_start3A_317 = arith.constant 0 : i32
        %dma_start3A_318 = tpu.memref_slice %arg3[%dma_start3A_316, %dma_start3A_317] : memref<1000000x64xf32, #tpu.memory_space<hbm>> -> memref<1000000x64xf32, #tpu.memory_space<hbm>>
        tpu.enqueue_indirect_dma source(%dma_start3A_318 : memref<1000000x64xf32, #tpu.memory_space<hbm>>) target(%dma_start3A_314 : memref<400x64xf32, #tpu.memory_space<vmem>>) offsets(%dma_start3A_315 : memref<400xi32, #tpu.memory_space<vmem>>) semaphore(%arg8 : memref<!tpu.dma_semaphore, #tpu.memory_space<semaphore_mem>>)
      } else {
      }
      %add3A_250 = arith.constant 3 : i32
      %add3A_251 = arith.addi %mul3A_93, %add3A_250 : i32
      %dma_wait3A_252 = arith.constant 3 : i32
      %dma_wait3A_253 = arith.constant 0 : i32
      %dma_wait3A_254 = arith.constant 0 : i32
      %dma_wait3A_255 = tpu.memref_slice %arg6[%dma_wait3A_252, %dma_wait3A_253, %dma_wait3A_254] : memref<4x400x64xf32, #tpu.memory_space<vmem>> -> memref<1x400x64xf32, #tpu.memory_space<vmem>>
      %dma_wait3A_256 = tpu.memref_squeeze %dma_wait3A_255 : memref<1x400x64xf32, #tpu.memory_space<vmem>> -> memref<400x64xf32, #tpu.memory_space<vmem>>
      %dma_wait3A_257 = arith.constant 0 : i32
      %dma_wait3A_258 = tpu.memref_slice %arg5[%dma_wait3A_257] : memref<25600xi32, #tpu.memory_space<vmem>> -> memref<400xi32, #tpu.memory_space<vmem>>
      %dma_wait3A_259 = arith.constant 0 : i32
      %dma_wait3A_260 = arith.constant 0 : i32
      %dma_wait3A_261 = tpu.memref_slice %arg3[%dma_wait3A_259, %dma_wait3A_260] : memref<1000000x64xf32, #tpu.memory_space<hbm>> -> memref<1000000x64xf32, #tpu.memory_space<hbm>>
      tpu.wait_indirect_dma semaphore(%arg10 : memref<!tpu.dma_semaphore, #tpu.memory_space<semaphore_mem>>) src(%dma_wait3A_261 : memref<1000000x64xf32, #tpu.memory_space<hbm>>) dst(%dma_wait3A_256 : memref<400x64xf32, #tpu.memory_space<vmem>>)
      %scan3A_262 = arith.constant 0 : i32
      %scan3A_263 = arith.constant 100 : i32
      %scan3A_264 = arith.addi %scan3A_262, %scan3A_263 : i32
      %scan3A_265 = arith.constant 1 : i32
      scf.for %scan3A_304 = %scan3A_262 to %scan3A_264 step %scan3A_265  : i32 {
        %mul3A_305 = arith.constant 4 : i32
        %mul3A_306 = arith.muli %scan3A_304, %mul3A_305 : i32
        %add3A_307 = arith.constant 0 : i32
        %add3A_308 = arith.addi %add3A_307, %mul3A_306 : i32
        %add3A_309 = arith.constant 0 : i32
        %add3A_310 = arith.addi %add3A_308, %add3A_309 : i32
        %get3A = arith.constant 3 : i32
        %get3A_311 = arith.index_cast %get3A : i32 to index
        %get3A_312 = arith.index_cast %add3A_310 : i32 to index
        %get3A_313 = arith.constant 0 : index
        %get3A_314 = tpu.vector_load %arg6[%get3A_311, %get3A_312, %get3A_313] {strides = array<i32>} : memref<4x400x64xf32, #tpu.memory_space<vmem>>, vector<1x1x16xf32>,
        %get3A_315 = vector.shape_cast %get3A_314 : vector<1x1x16xf32> to vector<16xf32>
        %mul3A_316 = arith.constant 8.000000e+00 : f32
        %mul3A_317 = vector.broadcast %mul3A_316 : f32 to vector<16xf32>
        %mul3A_318 = arith.mulf %get3A_315, %mul3A_317 : vector<16xf32>
        %swap3A = arith.constant 3 : i32
        %swap3A_319 = arith.index_cast %swap3A : i32 to index
        %swap3A_320 = arith.index_cast %add3A_310 : i32 to index
        %swap3A_321 = arith.constant 0 : index
        %swap3A_322 = tpu.vector_load %arg6[%swap3A_319, %swap3A_320, %swap3A_321] {strides = array<i32>} : memref<4x400x64xf32, #tpu.memory_space<vmem>>, vector<1x1x16xf32>,
        %swap3A_323 = vector.shape_cast %swap3A_322 : vector<1x1x16xf32> to vector<16xf32>
        %swap3A_324 = vector.shape_cast %mul3A_318 : vector<16xf32> to vector<1x1x16xf32>
        tpu.vector_store %arg6[%swap3A_319, %swap3A_320, %swap3A_321], %swap3A_324 {strides = array<i32>} : memref<4x400x64xf32, #tpu.memory_space<vmem>>, vector<1x1x16xf32>,
        %add3A_325 = arith.constant 0 : i32
        %add3A_326 = arith.addi %add3A_308, %add3A_325 : i32
        %get3A_327 = arith.constant 3 : i32
        %get3A_328 = arith.index_cast %get3A_327 : i32 to index
        %get3A_329 = arith.index_cast %add3A_326 : i32 to index
        %get3A_330 = arith.constant 16 : index
        %get3A_331 = tpu.vector_load %arg6[%get3A_328, %get3A_329, %get3A_330] {strides = array<i32>} : memref<4x400x64xf32, #tpu.memory_space<vmem>>, vector<1x1x16xf32>,
        %get3A_332 = vector.shape_cast %get3A_331 : vector<1x1x16xf32> to vector<16xf32>
        %mul3A_333 = arith.constant 8.000000e+00 : f32
        %mul3A_334 = vector.broadcast %mul3A_333 : f32 to vector<16xf32>
        %mul3A_335 = arith.mulf %get3A_332, %mul3A_334 : vector<16xf32>
        %swap3A_336 = arith.constant 3 : i32
        %swap3A_337 = arith.index_cast %swap3A_336 : i32 to index
        %swap3A_338 = arith.index_cast %add3A_326 : i32 to index
        %swap3A_339 = arith.constant 16 : index
        %swap3A_340 = tpu.vector_load %arg6[%swap3A_337, %swap3A_338, %swap3A_339] {strides = array<i32>} : memref<4x400x64xf32, #tpu.memory_space<vmem>>, vector<1x1x16xf32>,
        %swap3A_341 = vector.shape_cast %swap3A_340 : vector<1x1x16xf32> to vector<16xf32>
        %swap3A_342 = vector.shape_cast %mul3A_335 : vector<16xf32> to vector<1x1x16xf32>
        tpu.vector_store %arg6[%swap3A_337, %swap3A_338, %swap3A_339], %swap3A_342 {strides = array<i32>} : memref<4x400x64xf32, #tpu.memory_space<vmem>>, vector<1x1x16xf32>,
        %add3A_343 = arith.constant 0 : i32
        %add3A_344 = arith.addi %add3A_308, %add3A_343 : i32
        %get3A_345 = arith.constant 3 : i32
        %get3A_346 = arith.index_cast %get3A_345 : i32 to index
        %get3A_347 = arith.index_cast %add3A_344 : i32 to index
        %get3A_348 = arith.constant 32 : index
        %get3A_349 = tpu.vector_load %arg6[%get3A_346, %get3A_347, %get3A_348] {strides = array<i32>} : memref<4x400x64xf32, #tpu.memory_space<vmem>>, vector<1x1x16xf32>,
        %get3A_350 = vector.shape_cast %get3A_349 : vector<1x1x16xf32> to vector<16xf32>
        %mul3A_351 = arith.constant 8.000000e+00 : f32
        %mul3A_352 = vector.broadcast %mul3A_351 : f32 to vector<16xf32>
        %mul3A_353 = arith.mulf %get3A_350, %mul3A_352 : vector<16xf32>
        %swap3A_354 = arith.constant 3 : i32
        %swap3A_355 = arith.index_cast %swap3A_354 : i32 to index
        %swap3A_356 = arith.index_cast %add3A_344 : i32 to index
        %swap3A_357 = arith.constant 32 : index
        %swap3A_358 = tpu.vector_load %arg6[%swap3A_355, %swap3A_356, %swap3A_357] {strides = array<i32>} : memref<4x400x64xf32, #tpu.memory_space<vmem>>, vector<1x1x16xf32>,
        %swap3A_359 = vector.shape_cast %swap3A_358 : vector<1x1x16xf32> to vector<16xf32>
        %swap3A_360 = vector.shape_cast %mul3A_353 : vector<16xf32> to vector<1x1x16xf32>
        tpu.vector_store %arg6[%swap3A_355, %swap3A_356, %swap3A_357], %swap3A_360 {strides = array<i32>} : memref<4x400x64xf32, #tpu.memory_space<vmem>>, vector<1x1x16xf32>,
        %add3A_361 = arith.constant 0 : i32
        %add3A_362 = arith.addi %add3A_308, %add3A_361 : i32
        %get3A_363 = arith.constant 3 : i32
        %get3A_364 = arith.index_cast %get3A_363 : i32 to index
        %get3A_365 = arith.index_cast %add3A_362 : i32 to index
        %get3A_366 = arith.constant 48 : index
        %get3A_367 = tpu.vector_load %arg6[%get3A_364, %get3A_365, %get3A_366] {strides = array<i32>} : memref<4x400x64xf32, #tpu.memory_space<vmem>>, vector<1x1x16xf32>,
        %get3A_368 = vector.shape_cast %get3A_367 : vector<1x1x16xf32> to vector<16xf32>
        %mul3A_369 = arith.constant 8.000000e+00 : f32
        %mul3A_370 = vector.broadcast %mul3A_369 : f32 to vector<16xf32>
        %mul3A_371 = arith.mulf %get3A_368, %mul3A_370 : vector<16xf32>
        %swap3A_372 = arith.constant 3 : i32
        %swap3A_373 = arith.index_cast %swap3A_372 : i32 to index
        %swap3A_374 = arith.index_cast %add3A_362 : i32 to index
        %swap3A_375 = arith.constant 48 : index
        %swap3A_376 = tpu.vector_load %arg6[%swap3A_373, %swap3A_374, %swap3A_375] {strides = array<i32>} : memref<4x400x64xf32, #tpu.memory_space<vmem>>, vector<1x1x16xf32>,
        %swap3A_377 = vector.shape_cast %swap3A_376 : vector<1x1x16xf32> to vector<16xf32>
        %swap3A_378 = vector.shape_cast %mul3A_371 : vector<16xf32> to vector<1x1x16xf32>
        tpu.vector_store %arg6[%swap3A_373, %swap3A_374, %swap3A_375], %swap3A_378 {strides = array<i32>} : memref<4x400x64xf32, #tpu.memory_space<vmem>>, vector<1x1x16xf32>,
        %add3A_379 = arith.constant 1 : i32
        %add3A_380 = arith.addi %add3A_308, %add3A_379 : i32
        %get3A_381 = arith.constant 3 : i32
        %get3A_382 = arith.index_cast %get3A_381 : i32 to index
        %get3A_383 = arith.index_cast %add3A_380 : i32 to index
        %get3A_384 = arith.constant 0 : index
        %get3A_385 = tpu.vector_load %arg6[%get3A_382, %get3A_383, %get3A_384] {strides = array<i32>} : memref<4x400x64xf32, #tpu.memory_space<vmem>>, vector<1x1x16xf32>,
        %get3A_386 = vector.shape_cast %get3A_385 : vector<1x1x16xf32> to vector<16xf32>
        %mul3A_387 = arith.constant 8.000000e+00 : f32
        %mul3A_388 = vector.broadcast %mul3A_387 : f32 to vector<16xf32>
        %mul3A_389 = arith.mulf %get3A_386, %mul3A_388 : vector<16xf32>
        %swap3A_390 = arith.constant 3 : i32
        %swap3A_391 = arith.index_cast %swap3A_390 : i32 to index
        %swap3A_392 = arith.index_cast %add3A_380 : i32 to index
        %swap3A_393 = arith.constant 0 : index
        %swap3A_394 = tpu.vector_load %arg6[%swap3A_391, %swap3A_392, %swap3A_393] {strides = array<i32>} : memref<4x400x64xf32, #tpu.memory_space<vmem>>, vector<1x1x16xf32>,
        %swap3A_395 = vector.shape_cast %swap3A_394 : vector<1x1x16xf32> to vector<16xf32>
        %swap3A_396 = vector.shape_cast %mul3A_389 : vector<16xf32> to vector<1x1x16xf32>
        tpu.vector_store %arg6[%swap3A_391, %swap3A_392, %swap3A_393], %swap3A_396 {strides = array<i32>} : memref<4x400x64xf32, #tpu.memory_space<vmem>>, vector<1x1x16xf32>,
        %add3A_397 = arith.constant 1 : i32
        %add3A_398 = arith.addi %add3A_308, %add3A_397 : i32
        %get3A_399 = arith.constant 3 : i32
        %get3A_400 = arith.index_cast %get3A_399 : i32 to index
        %get3A_401 = arith.index_cast %add3A_398 : i32 to index
        %get3A_402 = arith.constant 16 : index
        %get3A_403 = tpu.vector_load %arg6[%get3A_400, %get3A_401, %get3A_402] {strides = array<i32>} : memref<4x400x64xf32, #tpu.memory_space<vmem>>, vector<1x1x16xf32>,
        %get3A_404 = vector.shape_cast %get3A_403 : vector<1x1x16xf32> to vector<16xf32>
        %mul3A_405 = arith.constant 8.000000e+00 : f32
        %mul3A_406 = vector.broadcast %mul3A_405 : f32 to vector<16xf32>
        %mul3A_407 = arith.mulf %get3A_404, %mul3A_406 : vector<16xf32>
        %swap3A_408 = arith.constant 3 : i32
        %swap3A_409 = arith.index_cast %swap3A_408 : i32 to index
        %swap3A_410 = arith.index_cast %add3A_398 : i32 to index
        %swap3A_411 = arith.constant 16 : index
        %swap3A_412 = tpu.vector_load %arg6[%swap3A_409, %swap3A_410, %swap3A_411] {strides = array<i32>} : memref<4x400x64xf32, #tpu.memory_space<vmem>>, vector<1x1x16xf32>,
        %swap3A_413 = vector.shape_cast %swap3A_412 : vector<1x1x16xf32> to vector<16xf32>
        %swap3A_414 = vector.shape_cast %mul3A_407 : vector<16xf32> to vector<1x1x16xf32>
        tpu.vector_store %arg6[%swap3A_409, %swap3A_410, %swap3A_411], %swap3A_414 {strides = array<i32>} : memref<4x400x64xf32, #tpu.memory_space<vmem>>, vector<1x1x16xf32>,
        %add3A_415 = arith.constant 1 : i32
        %add3A_416 = arith.addi %add3A_308, %add3A_415 : i32
        %get3A_417 = arith.constant 3 : i32
        %get3A_418 = arith.index_cast %get3A_417 : i32 to index
        %get3A_419 = arith.index_cast %add3A_416 : i32 to index
        %get3A_420 = arith.constant 32 : index
        %get3A_421 = tpu.vector_load %arg6[%get3A_418, %get3A_419, %get3A_420] {strides = array<i32>} : memref<4x400x64xf32, #tpu.memory_space<vmem>>, vector<1x1x16xf32>,
        %get3A_422 = vector.shape_cast %get3A_421 : vector<1x1x16xf32> to vector<16xf32>
        %mul3A_423 = arith.constant 8.000000e+00 : f32
        %mul3A_424 = vector.broadcast %mul3A_423 : f32 to vector<16xf32>
        %mul3A_425 = arith.mulf %get3A_422, %mul3A_424 : vector<16xf32>
        %swap3A_426 = arith.constant 3 : i32
        %swap3A_427 = arith.index_cast %swap3A_426 : i32 to index
        %swap3A_428 = arith.index_cast %add3A_416 : i32 to index
        %swap3A_429 = arith.constant 32 : index
        %swap3A_430 = tpu.vector_load %arg6[%swap3A_427, %swap3A_428, %swap3A_429] {strides = array<i32>} : memref<4x400x64xf32, #tpu.memory_space<vmem>>, vector<1x1x16xf32>,
        %swap3A_431 = vector.shape_cast %swap3A_430 : vector<1x1x16xf32> to vector<16xf32>
        %swap3A_432 = vector.shape_cast %mul3A_425 : vector<16xf32> to vector<1x1x16xf32>
        tpu.vector_store %arg6[%swap3A_427, %swap3A_428, %swap3A_429], %swap3A_432 {strides = array<i32>} : memref<4x400x64xf32, #tpu.memory_space<vmem>>, vector<1x1x16xf32>,
        %add3A_433 = arith.constant 1 : i32
        %add3A_434 = arith.addi %add3A_308, %add3A_433 : i32
        %get3A_435 = arith.constant 3 : i32
        %get3A_436 = arith.index_cast %get3A_435 : i32 to index
        %get3A_437 = arith.index_cast %add3A_434 : i32 to index
        %get3A_438 = arith.constant 48 : index
        %get3A_439 = tpu.vector_load %arg6[%get3A_436, %get3A_437, %get3A_438] {strides = array<i32>} : memref<4x400x64xf32, #tpu.memory_space<vmem>>, vector<1x1x16xf32>,
        %get3A_440 = vector.shape_cast %get3A_439 : vector<1x1x16xf32> to vector<16xf32>
        %mul3A_441 = arith.constant 8.000000e+00 : f32
        %mul3A_442 = vector.broadcast %mul3A_441 : f32 to vector<16xf32>
        %mul3A_443 = arith.mulf %get3A_440, %mul3A_442 : vector<16xf32>
        %swap3A_444 = arith.constant 3 : i32
        %swap3A_445 = arith.index_cast %swap3A_444 : i32 to index
        %swap3A_446 = arith.index_cast %add3A_434 : i32 to index
        %swap3A_447 = arith.constant 48 : index
        %swap3A_448 = tpu.vector_load %arg6[%swap3A_445, %swap3A_446, %swap3A_447] {strides = array<i32>} : memref<4x400x64xf32, #tpu.memory_space<vmem>>, vector<1x1x16xf32>,
        %swap3A_449 = vector.shape_cast %swap3A_448 : vector<1x1x16xf32> to vector<16xf32>
        %swap3A_450 = vector.shape_cast %mul3A_443 : vector<16xf32> to vector<1x1x16xf32>
        tpu.vector_store %arg6[%swap3A_445, %swap3A_446, %swap3A_447], %swap3A_450 {strides = array<i32>} : memref<4x400x64xf32, #tpu.memory_space<vmem>>, vector<1x1x16xf32>,
        %add3A_451 = arith.constant 2 : i32
        %add3A_452 = arith.addi %add3A_308, %add3A_451 : i32
        %get3A_453 = arith.constant 3 : i32
        %get3A_454 = arith.index_cast %get3A_453 : i32 to index
        %get3A_455 = arith.index_cast %add3A_452 : i32 to index
        %get3A_456 = arith.constant 0 : index
        %get3A_457 = tpu.vector_load %arg6[%get3A_454, %get3A_455, %get3A_456] {strides = array<i32>} : memref<4x400x64xf32, #tpu.memory_space<vmem>>, vector<1x1x16xf32>,
        %get3A_458 = vector.shape_cast %get3A_457 : vector<1x1x16xf32> to vector<16xf32>
        %mul3A_459 = arith.constant 8.000000e+00 : f32
        %mul3A_460 = vector.broadcast %mul3A_459 : f32 to vector<16xf32>
        %mul3A_461 = arith.mulf %get3A_458, %mul3A_460 : vector<16xf32>
        %swap3A_462 = arith.constant 3 : i32
        %swap3A_463 = arith.index_cast %swap3A_462 : i32 to index
        %swap3A_464 = arith.index_cast %add3A_452 : i32 to index
        %swap3A_465 = arith.constant 0 : index
        %swap3A_466 = tpu.vector_load %arg6[%swap3A_463, %swap3A_464, %swap3A_465] {strides = array<i32>} : memref<4x400x64xf32, #tpu.memory_space<vmem>>, vector<1x1x16xf32>,
        %swap3A_467 = vector.shape_cast %swap3A_466 : vector<1x1x16xf32> to vector<16xf32>
        %swap3A_468 = vector.shape_cast %mul3A_461 : vector<16xf32> to vector<1x1x16xf32>
        tpu.vector_store %arg6[%swap3A_463, %swap3A_464, %swap3A_465], %swap3A_468 {strides = array<i32>} : memref<4x400x64xf32, #tpu.memory_space<vmem>>, vector<1x1x16xf32>,
        %add3A_469 = arith.constant 2 : i32
        %add3A_470 = arith.addi %add3A_308, %add3A_469 : i32
        %get3A_471 = arith.constant 3 : i32
        %get3A_472 = arith.index_cast %get3A_471 : i32 to index
        %get3A_473 = arith.index_cast %add3A_470 : i32 to index
        %get3A_474 = arith.constant 16 : index
        %get3A_475 = tpu.vector_load %arg6[%get3A_472, %get3A_473, %get3A_474] {strides = array<i32>} : memref<4x400x64xf32, #tpu.memory_space<vmem>>, vector<1x1x16xf32>,
        %get3A_476 = vector.shape_cast %get3A_475 : vector<1x1x16xf32> to vector<16xf32>
        %mul3A_477 = arith.constant 8.000000e+00 : f32
        %mul3A_478 = vector.broadcast %mul3A_477 : f32 to vector<16xf32>
        %mul3A_479 = arith.mulf %get3A_476, %mul3A_478 : vector<16xf32>
        %swap3A_480 = arith.constant 3 : i32
        %swap3A_481 = arith.index_cast %swap3A_480 : i32 to index
        %swap3A_482 = arith.index_cast %add3A_470 : i32 to index
        %swap3A_483 = arith.constant 16 : index
        %swap3A_484 = tpu.vector_load %arg6[%swap3A_481, %swap3A_482, %swap3A_483] {strides = array<i32>} : memref<4x400x64xf32, #tpu.memory_space<vmem>>, vector<1x1x16xf32>,
        %swap3A_485 = vector.shape_cast %swap3A_484 : vector<1x1x16xf32> to vector<16xf32>
        %swap3A_486 = vector.shape_cast %mul3A_479 : vector<16xf32> to vector<1x1x16xf32>
        tpu.vector_store %arg6[%swap3A_481, %swap3A_482, %swap3A_483], %swap3A_486 {strides = array<i32>} : memref<4x400x64xf32, #tpu.memory_space<vmem>>, vector<1x1x16xf32>,
        %add3A_487 = arith.constant 2 : i32
        %add3A_488 = arith.addi %add3A_308, %add3A_487 : i32
        %get3A_489 = arith.constant 3 : i32
        %get3A_490 = arith.index_cast %get3A_489 : i32 to index
        %get3A_491 = arith.index_cast %add3A_488 : i32 to index
        %get3A_492 = arith.constant 32 : index
        %get3A_493 = tpu.vector_load %arg6[%get3A_490, %get3A_491, %get3A_492] {strides = array<i32>} : memref<4x400x64xf32, #tpu.memory_space<vmem>>, vector<1x1x16xf32>,
        %get3A_494 = vector.shape_cast %get3A_493 : vector<1x1x16xf32> to vector<16xf32>
        %mul3A_495 = arith.constant 8.000000e+00 : f32
        %mul3A_496 = vector.broadcast %mul3A_495 : f32 to vector<16xf32>
        %mul3A_497 = arith.mulf %get3A_494, %mul3A_496 : vector<16xf32>
        %swap3A_498 = arith.constant 3 : i32
        %swap3A_499 = arith.index_cast %swap3A_498 : i32 to index
        %swap3A_500 = arith.index_cast %add3A_488 : i32 to index
        %swap3A_501 = arith.constant 32 : index
        %swap3A_502 = tpu.vector_load %arg6[%swap3A_499, %swap3A_500, %swap3A_501] {strides = array<i32>} : memref<4x400x64xf32, #tpu.memory_space<vmem>>, vector<1x1x16xf32>,
        %swap3A_503 = vector.shape_cast %swap3A_502 : vector<1x1x16xf32> to vector<16xf32>
        %swap3A_504 = vector.shape_cast %mul3A_497 : vector<16xf32> to vector<1x1x16xf32>
        tpu.vector_store %arg6[%swap3A_499, %swap3A_500, %swap3A_501], %swap3A_504 {strides = array<i32>} : memref<4x400x64xf32, #tpu.memory_space<vmem>>, vector<1x1x16xf32>,
        %add3A_505 = arith.constant 2 : i32
        %add3A_506 = arith.addi %add3A_308, %add3A_505 : i32
        %get3A_507 = arith.constant 3 : i32
        %get3A_508 = arith.index_cast %get3A_507 : i32 to index
        %get3A_509 = arith.index_cast %add3A_506 : i32 to index
        %get3A_510 = arith.constant 48 : index
        %get3A_511 = tpu.vector_load %arg6[%get3A_508, %get3A_509, %get3A_510] {strides = array<i32>} : memref<4x400x64xf32, #tpu.memory_space<vmem>>, vector<1x1x16xf32>,
        %get3A_512 = vector.shape_cast %get3A_511 : vector<1x1x16xf32> to vector<16xf32>
        %mul3A_513 = arith.constant 8.000000e+00 : f32
        %mul3A_514 = vector.broadcast %mul3A_513 : f32 to vector<16xf32>
        %mul3A_515 = arith.mulf %get3A_512, %mul3A_514 : vector<16xf32>
        %swap3A_516 = arith.constant 3 : i32
        %swap3A_517 = arith.index_cast %swap3A_516 : i32 to index
        %swap3A_518 = arith.index_cast %add3A_506 : i32 to index
        %swap3A_519 = arith.constant 48 : index
        %swap3A_520 = tpu.vector_load %arg6[%swap3A_517, %swap3A_518, %swap3A_519] {strides = array<i32>} : memref<4x400x64xf32, #tpu.memory_space<vmem>>, vector<1x1x16xf32>,
        %swap3A_521 = vector.shape_cast %swap3A_520 : vector<1x1x16xf32> to vector<16xf32>
        %swap3A_522 = vector.shape_cast %mul3A_515 : vector<16xf32> to vector<1x1x16xf32>
        tpu.vector_store %arg6[%swap3A_517, %swap3A_518, %swap3A_519], %swap3A_522 {strides = array<i32>} : memref<4x400x64xf32, #tpu.memory_space<vmem>>, vector<1x1x16xf32>,
        %add3A_523 = arith.constant 3 : i32
        %add3A_524 = arith.addi %add3A_308, %add3A_523 : i32
        %get3A_525 = arith.constant 3 : i32
        %get3A_526 = arith.index_cast %get3A_525 : i32 to index
        %get3A_527 = arith.index_cast %add3A_524 : i32 to index
        %get3A_528 = arith.constant 0 : index
        %get3A_529 = tpu.vector_load %arg6[%get3A_526, %get3A_527, %get3A_528] {strides = array<i32>} : memref<4x400x64xf32, #tpu.memory_space<vmem>>, vector<1x1x16xf32>,
        %get3A_530 = vector.shape_cast %get3A_529 : vector<1x1x16xf32> to vector<16xf32>
        %mul3A_531 = arith.constant 8.000000e+00 : f32
        %mul3A_532 = vector.broadcast %mul3A_531 : f32 to vector<16xf32>
        %mul3A_533 = arith.mulf %get3A_530, %mul3A_532 : vector<16xf32>
        %swap3A_534 = arith.constant 3 : i32
        %swap3A_535 = arith.index_cast %swap3A_534 : i32 to index
        %swap3A_536 = arith.index_cast %add3A_524 : i32 to index
        %swap3A_537 = arith.constant 0 : index
        %swap3A_538 = tpu.vector_load %arg6[%swap3A_535, %swap3A_536, %swap3A_537] {strides = array<i32>} : memref<4x400x64xf32, #tpu.memory_space<vmem>>, vector<1x1x16xf32>,
        %swap3A_539 = vector.shape_cast %swap3A_538 : vector<1x1x16xf32> to vector<16xf32>
        %swap3A_540 = vector.shape_cast %mul3A_533 : vector<16xf32> to vector<1x1x16xf32>
        tpu.vector_store %arg6[%swap3A_535, %swap3A_536, %swap3A_537], %swap3A_540 {strides = array<i32>} : memref<4x400x64xf32, #tpu.memory_space<vmem>>, vector<1x1x16xf32>,
        %add3A_541 = arith.constant 3 : i32
        %add3A_542 = arith.addi %add3A_308, %add3A_541 : i32
        %get3A_543 = arith.constant 3 : i32
        %get3A_544 = arith.index_cast %get3A_543 : i32 to index
        %get3A_545 = arith.index_cast %add3A_542 : i32 to index
        %get3A_546 = arith.constant 16 : index
        %get3A_547 = tpu.vector_load %arg6[%get3A_544, %get3A_545, %get3A_546] {strides = array<i32>} : memref<4x400x64xf32, #tpu.memory_space<vmem>>, vector<1x1x16xf32>,
        %get3A_548 = vector.shape_cast %get3A_547 : vector<1x1x16xf32> to vector<16xf32>
        %mul3A_549 = arith.constant 8.000000e+00 : f32
        %mul3A_550 = vector.broadcast %mul3A_549 : f32 to vector<16xf32>
        %mul3A_551 = arith.mulf %get3A_548, %mul3A_550 : vector<16xf32>
        %swap3A_552 = arith.constant 3 : i32
        %swap3A_553 = arith.index_cast %swap3A_552 : i32 to index
        %swap3A_554 = arith.index_cast %add3A_542 : i32 to index
        %swap3A_555 = arith.constant 16 : index
        %swap3A_556 = tpu.vector_load %arg6[%swap3A_553, %swap3A_554, %swap3A_555] {strides = array<i32>} : memref<4x400x64xf32, #tpu.memory_space<vmem>>, vector<1x1x16xf32>,
        %swap3A_557 = vector.shape_cast %swap3A_556 : vector<1x1x16xf32> to vector<16xf32>
        %swap3A_558 = vector.shape_cast %mul3A_551 : vector<16xf32> to vector<1x1x16xf32>
        tpu.vector_store %arg6[%swap3A_553, %swap3A_554, %swap3A_555], %swap3A_558 {strides = array<i32>} : memref<4x400x64xf32, #tpu.memory_space<vmem>>, vector<1x1x16xf32>,
        %add3A_559 = arith.constant 3 : i32
        %add3A_560 = arith.addi %add3A_308, %add3A_559 : i32
        %get3A_561 = arith.constant 3 : i32
        %get3A_562 = arith.index_cast %get3A_561 : i32 to index
        %get3A_563 = arith.index_cast %add3A_560 : i32 to index
        %get3A_564 = arith.constant 32 : index
        %get3A_565 = tpu.vector_load %arg6[%get3A_562, %get3A_563, %get3A_564] {strides = array<i32>} : memref<4x400x64xf32, #tpu.memory_space<vmem>>, vector<1x1x16xf32>,
        %get3A_566 = vector.shape_cast %get3A_565 : vector<1x1x16xf32> to vector<16xf32>
        %mul3A_567 = arith.constant 8.000000e+00 : f32
        %mul3A_568 = vector.broadcast %mul3A_567 : f32 to vector<16xf32>
        %mul3A_569 = arith.mulf %get3A_566, %mul3A_568 : vector<16xf32>
        %swap3A_570 = arith.constant 3 : i32
        %swap3A_571 = arith.index_cast %swap3A_570 : i32 to index
        %swap3A_572 = arith.index_cast %add3A_560 : i32 to index
        %swap3A_573 = arith.constant 32 : index
        %swap3A_574 = tpu.vector_load %arg6[%swap3A_571, %swap3A_572, %swap3A_573] {strides = array<i32>} : memref<4x400x64xf32, #tpu.memory_space<vmem>>, vector<1x1x16xf32>,
        %swap3A_575 = vector.shape_cast %swap3A_574 : vector<1x1x16xf32> to vector<16xf32>
        %swap3A_576 = vector.shape_cast %mul3A_569 : vector<16xf32> to vector<1x1x16xf32>
        tpu.vector_store %arg6[%swap3A_571, %swap3A_572, %swap3A_573], %swap3A_576 {strides = array<i32>} : memref<4x400x64xf32, #tpu.memory_space<vmem>>, vector<1x1x16xf32>,
        %add3A_577 = arith.constant 3 : i32
        %add3A_578 = arith.addi %add3A_308, %add3A_577 : i32
        %get3A_579 = arith.constant 3 : i32
        %get3A_580 = arith.index_cast %get3A_579 : i32 to index
        %get3A_581 = arith.index_cast %add3A_578 : i32 to index
        %get3A_582 = arith.constant 48 : index
        %get3A_583 = tpu.vector_load %arg6[%get3A_580, %get3A_581, %get3A_582] {strides = array<i32>} : memref<4x400x64xf32, #tpu.memory_space<vmem>>, vector<1x1x16xf32>,
        %get3A_584 = vector.shape_cast %get3A_583 : vector<1x1x16xf32> to vector<16xf32>
        %mul3A_585 = arith.constant 8.000000e+00 : f32
        %mul3A_586 = vector.broadcast %mul3A_585 : f32 to vector<16xf32>
        %mul3A_587 = arith.mulf %get3A_584, %mul3A_586 : vector<16xf32>
        %swap3A_588 = arith.constant 3 : i32
        %swap3A_589 = arith.index_cast %swap3A_588 : i32 to index
        %swap3A_590 = arith.index_cast %add3A_578 : i32 to index
        %swap3A_591 = arith.constant 48 : index
        %swap3A_592 = tpu.vector_load %arg6[%swap3A_589, %swap3A_590, %swap3A_591] {strides = array<i32>} : memref<4x400x64xf32, #tpu.memory_space<vmem>>, vector<1x1x16xf32>,
        %swap3A_593 = vector.shape_cast %swap3A_592 : vector<1x1x16xf32> to vector<16xf32>
        %swap3A_594 = vector.shape_cast %mul3A_587 : vector<16xf32> to vector<1x1x16xf32>
        tpu.vector_store %arg6[%swap3A_589, %swap3A_590, %swap3A_591], %swap3A_594 {strides = array<i32>} : memref<4x400x64xf32, #tpu.memory_space<vmem>>, vector<1x1x16xf32>,
      }
      %scan3A_266 = arith.constant 100 : i32
      %mul3A_267 = arith.constant 400 : i32
      %mul3A_268 = arith.muli %add3A_251, %mul3A_267 : i32
      %add3A_269 = arith.addi %mul3A_2, %mul3A_268 : i32
      %dma_start3A_270 = arith.constant 3 : i32
      %dma_start3A_271 = arith.constant 0 : i32
      %dma_start3A_272 = arith.constant 0 : i32
      %dma_start3A_273 = tpu.memref_slice %arg6[%dma_start3A_270, %dma_start3A_271, %dma_start3A_272] : memref<4x400x64xf32, #tpu.memory_space<vmem>> -> memref<1x400x64xf32, #tpu.memory_space<vmem>>
      %dma_start3A_274 = tpu.memref_squeeze %dma_start3A_273 : memref<1x400x64xf32, #tpu.memory_space<vmem>> -> memref<400x64xf32, #tpu.memory_space<vmem>>
      %dma_start3A_275 = arith.constant 0 : i32
      %dma_start3A_276 = tpu.memref_slice %arg4[%add3A_269, %dma_start3A_275] : memref<819200x64xf32, #tpu.memory_space<hbm>> -> memref<400x64xf32, #tpu.memory_space<hbm>>
      %dma_start3A_277 = arith.constant 0 : i32
      %dma_start3A_278 = tpu.memref_slice %arg4[%add3A_269, %dma_start3A_277] : memref<819200x64xf32, #tpu.memory_space<hbm>> -> memref<400x64xf32, #tpu.memory_space<hbm>>
      %dma_start3A_279 = arith.constant 0 : i32
      %dma_start3A_280 = arith.constant 0 : i32
      %dma_start3A_281 = tpu.memref_slice %arg6[%dma_start3A_270, %dma_start3A_279, %dma_start3A_280] : memref<4x400x64xf32, #tpu.memory_space<vmem>> -> memref<1x400x64xf32, #tpu.memory_space<vmem>>
      %dma_start3A_282 = tpu.memref_squeeze %dma_start3A_281 : memref<1x400x64xf32, #tpu.memory_space<vmem>> -> memref<400x64xf32, #tpu.memory_space<vmem>>
      tpu.enqueue_dma source(%dma_start3A_282 : memref<400x64xf32, #tpu.memory_space<vmem>>) target(%dma_start3A_278 : memref<400x64xf32, #tpu.memory_space<hbm>>) target_semaphore(%arg14 : memref<!tpu.dma_semaphore, #tpu.memory_space<semaphore_mem>>)
      %ge3A_283 = arith.constant 1 : i32
      %ge3A_284 = arith.cmpi sge, %add3A_251, %ge3A_283 : i32
      %add3A_285 = arith.constant 4 : i32
      %add3A_286 = arith.addi %add3A_251, %add3A_285 : i32
      %sub3A_287 = arith.constant 1 : i32
      %sub3A_288 = arith.subi %add3A_286, %sub3A_287 : i32
      %lt3A_289 = arith.constant 64 : i32
      %lt3A_290 = arith.cmpi slt, %sub3A_288, %lt3A_289 : i32
      %and3A_291 = arith.andi %ge3A_284, %lt3A_290 : i1
      %convert_element_type3A_292 = arith.extui %and3A_291 : i1 to i32
      %cond3A_293 = arith.constant 0 : i32
      %cond3A_294 = arith.cmpi ne, %convert_element_type3A_292, %cond3A_293 : i32
      scf.if %cond3A_294 {
        %dma_wait3A_304 = arith.constant 2 : i32
        %dma_wait3A_305 = arith.constant 0 : i32
        %dma_wait3A_306 = arith.constant 0 : i32
        %dma_wait3A_307 = tpu.memref_slice %arg6[%dma_wait3A_304, %dma_wait3A_305, %dma_wait3A_306] : memref<4x400x64xf32, #tpu.memory_space<vmem>> -> memref<1x400x64xf32, #tpu.memory_space<vmem>>
        %dma_wait3A_308 = tpu.memref_squeeze %dma_wait3A_307 : memref<1x400x64xf32, #tpu.memory_space<vmem>> -> memref<400x64xf32, #tpu.memory_space<vmem>>
        %dma_wait3A_309 = arith.constant 0 : i32
        %dma_wait3A_310 = tpu.memref_slice %arg4[%mul3A_2, %dma_wait3A_309] : memref<819200x64xf32, #tpu.memory_space<hbm>> -> memref<400x64xf32, #tpu.memory_space<hbm>>
        %dma_wait3A_311 = arith.constant 0 : i32
        %dma_wait3A_312 = tpu.memref_slice %arg4[%mul3A_2, %dma_wait3A_311] : memref<819200x64xf32, #tpu.memory_space<hbm>> -> memref<400x64xf32, #tpu.memory_space<hbm>>
        %dma_wait3A_313 = arith.constant 0 : i32
        %dma_wait3A_314 = arith.constant 0 : i32
        %dma_wait3A_315 = tpu.memref_slice %arg6[%dma_wait3A_304, %dma_wait3A_313, %dma_wait3A_314] : memref<4x400x64xf32, #tpu.memory_space<vmem>> -> memref<1x400x64xf32, #tpu.memory_space<vmem>>
        %dma_wait3A_316 = tpu.memref_squeeze %dma_wait3A_315 : memref<1x400x64xf32, #tpu.memory_space<vmem>> -> memref<400x64xf32, #tpu.memory_space<vmem>>
        tpu.wait_dma2 semaphore(%arg13 : memref<!tpu.dma_semaphore, #tpu.memory_space<semaphore_mem>>) src(%dma_wait3A_316 : memref<400x64xf32, #tpu.memory_space<vmem>>) dst(%dma_wait3A_312 : memref<400x64xf32, #tpu.memory_space<hbm>>)
      } else {
      }
      %add3A_295 = arith.constant 4 : i32
      %add3A_296 = arith.addi %add3A_251, %add3A_295 : i32
      %sub3A_297 = arith.constant 1 : i32
      %sub3A_298 = arith.subi %add3A_296, %sub3A_297 : i32
      %lt3A_299 = arith.constant 64 : i32
      %lt3A_300 = arith.cmpi slt, %sub3A_298, %lt3A_299 : i32
      %convert_element_type3A_301 = arith.extui %lt3A_300 : i1 to i32
      %cond3A_302 = arith.constant 0 : i32
      %cond3A_303 = arith.cmpi ne, %convert_element_type3A_301, %cond3A_302 : i32
      scf.if %cond3A_303 {
        %add3A_304 = arith.constant 4 : i32
        %add3A_305 = arith.addi %add3A_251, %add3A_304 : i32
        %sub3A_306 = arith.constant 1 : i32
        %sub3A_307 = arith.subi %add3A_305, %sub3A_306 : i32
        %mul3A_308 = arith.constant 400 : i32
        %mul3A_309 = arith.muli %sub3A_307, %mul3A_308 : i32
        %dma_start3A_310 = arith.constant 2 : i32
        %dma_start3A_311 = arith.constant 0 : i32
        %dma_start3A_312 = arith.constant 0 : i32
        %dma_start3A_313 = tpu.memref_slice %arg6[%dma_start3A_310, %dma_start3A_311, %dma_start3A_312] : memref<4x400x64xf32, #tpu.memory_space<vmem>> -> memref<1x400x64xf32, #tpu.memory_space<vmem>>
        %dma_start3A_314 = tpu.memref_squeeze %dma_start3A_313 : memref<1x400x64xf32, #tpu.memory_space<vmem>> -> memref<400x64xf32, #tpu.memory_space<vmem>>
        %dma_start3A_315 = tpu.memref_slice %arg5[%mul3A_309] : memref<25600xi32, #tpu.memory_space<vmem>> -> memref<400xi32, #tpu.memory_space<vmem>>
        %dma_start3A_316 = arith.constant 0 : i32
        %dma_start3A_317 = arith.constant 0 : i32
        %dma_start3A_318 = tpu.memref_slice %arg3[%dma_start3A_316, %dma_start3A_317] : memref<1000000x64xf32, #tpu.memory_space<hbm>> -> memref<1000000x64xf32, #tpu.memory_space<hbm>>
        tpu.enqueue_indirect_dma source(%dma_start3A_318 : memref<1000000x64xf32, #tpu.memory_space<hbm>>) target(%dma_start3A_314 : memref<400x64xf32, #tpu.memory_space<vmem>>) offsets(%dma_start3A_315 : memref<400xi32, #tpu.memory_space<vmem>>) semaphore(%arg9 : memref<!tpu.dma_semaphore, #tpu.memory_space<semaphore_mem>>)
      } else {
      }
    }
    %scan3A_35 = arith.constant 16 : i32
    %dma_wait3A = arith.constant 0 : i32
    %dma_wait3A_36 = arith.constant 0 : i32
    %dma_wait3A_37 = arith.constant 0 : i32
    %dma_wait3A_38 = tpu.memref_slice %arg6[%dma_wait3A, %dma_wait3A_36, %dma_wait3A_37] : memref<4x400x64xf32, #tpu.memory_space<vmem>> -> memref<1x400x64xf32, #tpu.memory_space<vmem>>
    %dma_wait3A_39 = tpu.memref_squeeze %dma_wait3A_38 : memref<1x400x64xf32, #tpu.memory_space<vmem>> -> memref<400x64xf32, #tpu.memory_space<vmem>>
    %dma_wait3A_40 = arith.constant 0 : i32
    %dma_wait3A_41 = tpu.memref_slice %arg4[%mul3A_2, %dma_wait3A_40] : memref<819200x64xf32, #tpu.memory_space<hbm>> -> memref<400x64xf32, #tpu.memory_space<hbm>>
    %dma_wait3A_42 = arith.constant 0 : i32
    %dma_wait3A_43 = tpu.memref_slice %arg4[%mul3A_2, %dma_wait3A_42] : memref<819200x64xf32, #tpu.memory_space<hbm>> -> memref<400x64xf32, #tpu.memory_space<hbm>>
    %dma_wait3A_44 = arith.constant 0 : i32
    %dma_wait3A_45 = arith.constant 0 : i32
    %dma_wait3A_46 = tpu.memref_slice %arg6[%dma_wait3A, %dma_wait3A_44, %dma_wait3A_45] : memref<4x400x64xf32, #tpu.memory_space<vmem>> -> memref<1x400x64xf32, #tpu.memory_space<vmem>>
    %dma_wait3A_47 = tpu.memref_squeeze %dma_wait3A_46 : memref<1x400x64xf32, #tpu.memory_space<vmem>> -> memref<400x64xf32, #tpu.memory_space<vmem>>
    tpu.wait_dma2 semaphore(%arg11 : memref<!tpu.dma_semaphore, #tpu.memory_space<semaphore_mem>>) src(%dma_wait3A_47 : memref<400x64xf32, #tpu.memory_space<vmem>>) dst(%dma_wait3A_43 : memref<400x64xf32, #tpu.memory_space<hbm>>)
    %dma_wait3A_48 = arith.constant 1 : i32
    %dma_wait3A_49 = arith.constant 0 : i32
    %dma_wait3A_50 = arith.constant 0 : i32
    %dma_wait3A_51 = tpu.memref_slice %arg6[%dma_wait3A_48, %dma_wait3A_49, %dma_wait3A_50] : memref<4x400x64xf32, #tpu.memory_space<vmem>> -> memref<1x400x64xf32, #tpu.memory_space<vmem>>
    %dma_wait3A_52 = tpu.memref_squeeze %dma_wait3A_51 : memref<1x400x64xf32, #tpu.memory_space<vmem>> -> memref<400x64xf32, #tpu.memory_space<vmem>>
    %dma_wait3A_53 = arith.constant 0 : i32
    %dma_wait3A_54 = tpu.memref_slice %arg4[%mul3A_2, %dma_wait3A_53] : memref<819200x64xf32, #tpu.memory_space<hbm>> -> memref<400x64xf32, #tpu.memory_space<hbm>>
    %dma_wait3A_55 = arith.constant 0 : i32
    %dma_wait3A_56 = tpu.memref_slice %arg4[%mul3A_2, %dma_wait3A_55] : memref<819200x64xf32, #tpu.memory_space<hbm>> -> memref<400x64xf32, #tpu.memory_space<hbm>>
    %dma_wait3A_57 = arith.constant 0 : i32
    %dma_wait3A_58 = arith.constant 0 : i32
    %dma_wait3A_59 = tpu.memref_slice %arg6[%dma_wait3A_48, %dma_wait3A_57, %dma_wait3A_58] : memref<4x400x64xf32, #tpu.memory_space<vmem>> -> memref<1x400x64xf32, #tpu.memory_space<vmem>>
    %dma_wait3A_60 = tpu.memref_squeeze %dma_wait3A_59 : memref<1x400x64xf32, #tpu.memory_space<vmem>> -> memref<400x64xf32, #tpu.memory_space<vmem>>
    tpu.wait_dma2 semaphore(%arg12 : memref<!tpu.dma_semaphore, #tpu.memory_space<semaphore_mem>>) src(%dma_wait3A_60 : memref<400x64xf32, #tpu.memory_space<vmem>>) dst(%dma_wait3A_56 : memref<400x64xf32, #tpu.memory_space<hbm>>)
    %dma_wait3A_61 = arith.constant 2 : i32
    %dma_wait3A_62 = arith.constant 0 : i32
    %dma_wait3A_63 = arith.constant 0 : i32
    %dma_wait3A_64 = tpu.memref_slice %arg6[%dma_wait3A_61, %dma_wait3A_62, %dma_wait3A_63] : memref<4x400x64xf32, #tpu.memory_space<vmem>> -> memref<1x400x64xf32, #tpu.memory_space<vmem>>
    %dma_wait3A_65 = tpu.memref_squeeze %dma_wait3A_64 : memref<1x400x64xf32, #tpu.memory_space<vmem>> -> memref<400x64xf32, #tpu.memory_space<vmem>>
    %dma_wait3A_66 = arith.constant 0 : i32
    %dma_wait3A_67 = tpu.memref_slice %arg4[%mul3A_2, %dma_wait3A_66] : memref<819200x64xf32, #tpu.memory_space<hbm>> -> memref<400x64xf32, #tpu.memory_space<hbm>>
    %dma_wait3A_68 = arith.constant 0 : i32
    %dma_wait3A_69 = tpu.memref_slice %arg4[%mul3A_2, %dma_wait3A_68] : memref<819200x64xf32, #tpu.memory_space<hbm>> -> memref<400x64xf32, #tpu.memory_space<hbm>>
    %dma_wait3A_70 = arith.constant 0 : i32
    %dma_wait3A_71 = arith.constant 0 : i32
    %dma_wait3A_72 = tpu.memref_slice %arg6[%dma_wait3A_61, %dma_wait3A_70, %dma_wait3A_71] : memref<4x400x64xf32, #tpu.memory_space<vmem>> -> memref<1x400x64xf32, #tpu.memory_space<vmem>>
    %dma_wait3A_73 = tpu.memref_squeeze %dma_wait3A_72 : memref<1x400x64xf32, #tpu.memory_space<vmem>> -> memref<400x64xf32, #tpu.memory_space<vmem>>
    tpu.wait_dma2 semaphore(%arg13 : memref<!tpu.dma_semaphore, #tpu.memory_space<semaphore_mem>>) src(%dma_wait3A_73 : memref<400x64xf32, #tpu.memory_space<vmem>>) dst(%dma_wait3A_69 : memref<400x64xf32, #tpu.memory_space<hbm>>)
    %dma_wait3A_74 = arith.constant 3 : i32
    %dma_wait3A_75 = arith.constant 0 : i32
    %dma_wait3A_76 = arith.constant 0 : i32
    %dma_wait3A_77 = tpu.memref_slice %arg6[%dma_wait3A_74, %dma_wait3A_75, %dma_wait3A_76] : memref<4x400x64xf32, #tpu.memory_space<vmem>> -> memref<1x400x64xf32, #tpu.memory_space<vmem>>
    %dma_wait3A_78 = tpu.memref_squeeze %dma_wait3A_77 : memref<1x400x64xf32, #tpu.memory_space<vmem>> -> memref<400x64xf32, #tpu.memory_space<vmem>>
    %dma_wait3A_79 = arith.constant 0 : i32
    %dma_wait3A_80 = tpu.memref_slice %arg4[%mul3A_2, %dma_wait3A_79] : memref<819200x64xf32, #tpu.memory_space<hbm>> -> memref<400x64xf32, #tpu.memory_space<hbm>>
    %dma_wait3A_81 = arith.constant 0 : i32
    %dma_wait3A_82 = tpu.memref_slice %arg4[%mul3A_2, %dma_wait3A_81] : memref<819200x64xf32, #tpu.memory_space<hbm>> -> memref<400x64xf32, #tpu.memory_space<hbm>>
    %dma_wait3A_83 = arith.constant 0 : i32
    %dma_wait3A_84 = arith.constant 0 : i32
    %dma_wait3A_85 = tpu.memref_slice %arg6[%dma_wait3A_74, %dma_wait3A_83, %dma_wait3A_84] : memref<4x400x64xf32, #tpu.memory_space<vmem>> -> memref<1x400x64xf32, #tpu.memory_space<vmem>>
    %dma_wait3A_86 = tpu.memref_squeeze %dma_wait3A_85 : memref<1x400x64xf32, #tpu.memory_space<vmem>> -> memref<400x64xf32, #tpu.memory_space<vmem>>
    tpu.wait_dma2 semaphore(%arg14 : memref<!tpu.dma_semaphore, #tpu.memory_space<semaphore_mem>>) src(%dma_wait3A_86 : memref<400x64xf32, #tpu.memory_space<vmem>>) dst(%dma_wait3A_82 : memref<400x64xf32, #tpu.memory_space<hbm>>)
    return
  }
}

</mosaic_0001>

<sc_bundles>
// kernel: kernel.3.cloned.1.call-start
scs
__scs_entry_jumppad:
0x0: {  	(pc) =	sbr.rel $0x88, $3  }
0x1: {  	(tag) =	ssettag $0x0;
	lr =	simm.s32 $0x1  }
0x2: {  	[smem:$0x3F9F] =	sst lr;
	_ =	strace $0xD0000000  }
0x3: {  	_ = 	snop  }
0x4: {  	_ = 	snop  }
0x5: {  	_ = 	snop  }
0x6: {  	_ = 	snop  }
0x7: {  	_ = 	snop  }
__scs_overlays_trampoline_lowered:
0x8: {  	[smem:$0x3FAE] =	sst s0  }
0x9: {  	[smem:$0x3FAF] =	sst s1  }
0xa: {  	[smem:$0x3FB0] =	sst s2  }
0xb: {  	[smem:$0x3FB1] =	sst s3  }
0xc: {  	[smem:$0x3FB2] =	sst s4  }
0xd: {  	[smem:$0x3FB3] =	sst s5  }
0xe: {  	[smem:$0x3FB4] =	sst s6  }
0xf: {  	[smem:$0x3FB5] =	sst s7  }
0x10: {  	[smem:$0x3FB6] =	sst s8  }
0x11: {  	[smem:$0x3FB7] =	sst s9;
	s0 =	simm.s32 @!p0 $0x0  }
0x12: {  	s1 =	sld [smem:$0x3F9D];
	s0 =	simm.s32 @p0 $0x1  }
0x13: {  	[smem:$0x3FB8] =	sst s0;
	s0 =	simm.s32 @!p1 $0x0  }
0x14: {  	s2 =	sld [smem:$0x3F9C];
	s0 =	simm.s32 @p1 $0x1  }
0x15: {  	[smem:$0x3FB9] =	sst s0;
	s0 =	simm.s32 @!p2 $0x0  }
0x16: {  	s3 =	sld [smem:$0x3FDB];
	s0 =	simm.s32 @p2 $0x1  }
0x17: {  	s4 =	simm.s32 $0x1BF5;
	[smem:$0x3FBB] =	sst s0  }
0x18: {  	s0 =	sld [smem:$0x3F9E];
	_ =	swait.ge [sflag:s4], $0x0  }
0x19: {  	s7 =	sld [smem:$0x3F9F]  }
0x1a: {  	s8 =	sadd.s32 $0xFFFFE003, lr  }
0x1b: {  	s9 =	sadd.s32 $0xFFFFFEF7, lr;
	s5 =	simm.s32 $0xFFFFFFFF;
	p2 =	slt.u32 s8, $0xFFFFF086  }
0x1c: {  	p1 =	slt.u32 s9, $0xF7A;
	s5 =	simm.s32 @!p2 $0x0  }
0x1d: {  	s5 =	simm.s32 @p1 $0x1;
	p0 =	seq.s32 s7, s2  }
0x1e: {  	s7 =	smul.u32 @!p0 $0xF7A, s2;
	p2 =	seq.s32 @!p0 s5, $0x0  }
0x1f: {  	s9 =	smul.u32 $0xF7A, s1;
	s8 =	simm.s32 @!p0 $0x1BF5;
	p2 =	por !p2, p0  }
0x20: {  	[sflag:s8] =	ssyncset.s32 @!p0 $0xFFFFF086;
	s6 =	sadd.s32 @!p0 s3, s7;
	s7 =	simm.s32 @!p0 $0x108  }
0x21: {  	s3 =	sadd.s32 s3, s9;
	s6 =	sadd.s32 @!p0 $0x88, s6;
	s7 =	simm.s32 @p2 $0x1082  }
0x22: {  	[simem:s7], [sflag:s8] =	dma.local @!p0 [hbm:s6], $0xF7A  }
0x23: {  	s9 =	sor.u32 $0xD0000000, s2;
	s6 =	simm.s32 $0x108;
	_ =	swait.ge @!p0 [sflag:s8], $0x0  }
0x24: {  	s3 =	sadd.s32 $0x88, s3;
	s6 =	simm.s32 @!p1 $0x1082;
	[sflag:s4] =	ssyncset.s32 $0xFFFFF086  }
0x25: {  	[simem:s6], [sflag:s4] =	dma.local [hbm:s3], $0xF7A  }
0x26: {  	[smem:$0x3F9F] =	sst s1;
	(tag) =	ssettag s2;
	_ =	strace s9  }
0x27: {  	s1 =	sld [smem:$0x3FAF]  }
0x28: {  	s2 =	sld [smem:$0x3FB0]  }
0x29: {  	s4 =	sld [smem:$0x3FB2]  }
0x2a: {  	p0 =	seq.s32 s5, $0x0;
	s5 =	sld [smem:$0x3FB3]  }
0x2b: {  	s6 =	sld [smem:$0x3FB4]  }
0x2c: {  	s7 =	sld [smem:$0x3FB5]  }
0x2d: {  	s3 =	simm.s32 $0x108;
	s8 =	sld [smem:$0x3FB6]  }
0x2e: {  	s3 =	simm.s32 @!p0 $0x1082;
	s9 =	sld [smem:$0x3FB7]  }
0x2f: {  	lr =	sadd.s32 s0, s3;
	s0 =	sld [smem:$0x3FAE]  }
0x30: {  	s3 =	sld [smem:$0x3FB1]  }
0x31: {  	[smem:$0x3FBA] =	sst s10  }
0x32: {  	s10 =	sld [smem:$0x3FB8];
	_ =	sdelay $0x3  }
0x33: {  	p0 =	seq.s32 s10, $0x1;
	s10 =	sld [smem:$0x3FBA];
	_ =	sdelay $0x3  }
0x34: {  	[smem:$0x3FBA] =	sst s10  }
0x35: {  	s10 =	sld [smem:$0x3FB9];
	_ =	sdelay $0x3  }
0x36: {  	p1 =	seq.s32 s10, $0x1;
	s10 =	sld [smem:$0x3FBA];
	_ =	sdelay $0x3  }
0x37: {  	[smem:$0x3FBA] =	sst s10  }
0x38: {  	s10 =	sld [smem:$0x3FBB]  }
0x39: {  	_ = 	snop;
	(pc) =	sbr.ind lr, $3  }
0x3a: {  	_ = 	snop  }
0x3b: {  	_ = 	snop  }
0x3c: {  	p2 =	seq.s32 s10, $0x1;
	s10 =	sld [smem:$0x3FBA]  }
0x3d: {  	_ =	shalt  }
0x3e: {  	_ =	shalt  }
0x3f: {  	_ =	shalt  }
0x40: {  	_ =	shalt  }
0x41: {  	_ =	shalt  }
0x42: {  	_ =	shalt  }
0x43: {  	_ =	shalt  }
0x44: {  	_ =	shalt  }
0x45: {  	_ =	shalt  }
0x46: {  	_ =	shalt  }
0x47: {  	_ =	shalt  }
0x48: {  	_ =	shalt  }
0x49: {  	_ =	shalt  }
0x4a: {  	_ =	shalt  }
0x4b: {  	_ =	shalt  }
0x4c: {  	_ =	shalt  }
0x4d: {  	_ =	shalt  }
0x4e: {  	_ =	shalt  }
0x4f: {  	_ =	shalt  }
0x50: {  	_ =	shalt  }
0x51: {  	_ =	shalt  }
0x52: {  	_ =	shalt  }
0x53: {  	_ =	shalt  }
0x54: {  	_ =	shalt  }
0x55: {  	_ =	shalt  }
0x56: {  	_ =	shalt  }
0x57: {  	_ =	shalt  }
0x58: {  	_ =	shalt  }
0x59: {  	_ =	shalt  }
0x5a: {  	_ =	shalt  }
0x5b: {  	_ =	shalt  }
0x5c: {  	_ =	shalt  }
0x5d: {  	_ =	shalt  }
0x5e: {  	_ =	shalt  }
0x5f: {  	_ =	shalt  }
0x60: {  	_ =	shalt  }
0x61: {  	_ =	shalt  }
0x62: {  	_ =	shalt  }
0x63: {  	_ =	shalt  }
0x64: {  	_ =	shalt  }
0x65: {  	_ =	shalt  }
0x66: {  	_ =	shalt  }
0x67: {  	_ =	shalt  }
0x68: {  	_ =	shalt  }
0x69: {  	_ =	shalt  }
0x6a: {  	_ =	shalt  }
0x6b: {  	_ =	shalt  }
0x6c: {  	_ =	shalt  }
0x6d: {  	_ =	shalt  }
0x6e: {  	_ =	shalt  }
0x6f: {  	_ =	shalt  }
0x70: {  	_ =	shalt  }
0x71: {  	_ =	shalt  }
0x72: {  	_ =	shalt  }
0x73: {  	_ =	shalt  }
0x74: {  	_ =	shalt  }
0x75: {  	_ =	shalt  }
0x76: {  	_ =	shalt  }
0x77: {  	_ =	shalt  }
0x78: {  	_ =	shalt  }
0x79: {  	_ =	shalt  }
0x7a: {  	_ =	shalt  }
0x7b: {  	_ =	shalt  }
0x7c: {  	_ =	shalt  }
0x7d: {  	_ =	shalt  }
0x7e: {  	_ =	shalt  }
0x7f: {  	_ =	shalt  }
0x80: {  	_ =	shalt  }
0x81: {  	_ =	shalt  }
0x82: {  	_ =	shalt  }
0x83: {  	_ =	shalt  }
0x84: {  	_ =	shalt  }
0x85: {  	_ =	shalt  }
0x86: {  	_ =	shalt  }
0x87: {  	_ =	shalt  }
.Lfunc_end0:
.L_simem_size_0:
called_computation.1_lowered:
.L_overlay_start_0:
0x88: {  	s2 =	sld [smem:$0x3FD9]  }
0x89: {  	s3 =	sld [smem:$0x3FFE];
	_ =	sdelay $0x1  }
0x8a: {  	s1 =	srdreg.scid  }
0x8b: {  	s0 =	sand.u32 $0x1, s1  }
0x8c: {  	s17 =	sshll.u32 s0, $0xA;
	s2 =	sadd.s32 s3, s2  }
0x8d: {  	s2 =	sadd.s32 s2, s17  }
0x8e: {  	[smem:$0x3FC6] =	sst s2  }
0x8f: {  	_ = 	snop  }
0x90: {  	s2 =	sld [smem:$0x3FD0];
	(tm) =	ssettm $0x1  }
0x91: {  	s18 =	sld [smem:$0x3FFB];
	_ =	sdelay $0x3  }
0x92: {  	_ =	strace s18  }
0x93: {  	s3 =	sld [smem:$0x3FFC];
	_ =	sdelay $0x3  }
0x94: {  	_ =	strace s3  }
0x95: {  	s3 =	sld [smem:$0x3FFD];
	_ =	sdelay $0x3  }
0x96: {  	_ =	strace s3  }
0x97: {  	_ =	strace $0x8FFFFFFF  }
0x98: {  	s19 =	sld [smem:$0x3FDB];
	_ =	sdelay $0x1  }
0x99: {  	s4 =	simm.s32 $_scs_section_size  }
0x9a: {  	s5 =	simm.s32 $_size__tile_overlayer_lowered;
	s6 =	simm.s32 $_tile_overlayer_lowered  }
0x9b: {  	s22 =	simm.s32 $0x1BFF;
	s21 =	sshll.u32 s6, $0x1;
	s3 =	sadd.s32 s4, s19  }
0x9c: {  	s7 =	simm.s32 $0x0;
	s20 =	sshll.u32 s5, $0x1;
	s5 =	sadd.s32 s21, s3  }
0x9d: {  	[timem:s7], [sflag:s22] =	dma.local [hbm:s5], s20  }
0x9e: {  	_ =	swait.ge [sflag:s22], s20  }
0x9f: {  	s4 =	ssub.s32 $0x0, s20;
	[sflag:s22] =	ssyncset.done $0x0  }
0xa0: {  	[sflag:s22] =	ssyncadd.s32 s4;
	_ =	sdelay $0x1  }
0xa1: {  	s23 =	simm.s32 $0x1B8B  }
0xa2: {  	_ =	swait.ge [sflag:s23], $0x1  }
0xa3: {  	[sflag:s23] =	ssyncset.done $0x0  }
0xa4: {  	s25 =	simm.s32 $0x1B8E;
	s24 =	sld [smem:$0x3FFE];
	[sflag:s23] =	ssyncadd.s32 $0xFFFFFFFF  }
0xa5: {  	s26 =	simm.s32 $execute0_lowered;
	[smem:$0x3FD2] =	sst s25  }
0xa6: {  	s5 =	sshll.u32 s26, $0x1;
	_ =	strace $0x80000046;
	[dreg:$0x1] =	wrdreg $0xFFFFFFFF  }
0xa7: {  	s28 =	simm.s32 $_size_execute0_lowered;
	s3 =	sadd.s32 s3, s5;
	[dreg:$0x0] =	wrdreg $0x0  }
0xa8: {  	s5 =	sshll.u32 s28, $0x1;
	[dreg:$0x2] =	wrdreg s3  }
0xa9: {  	[dreg:$0x3] =	wrdreg s5  }
0xaa: {  	[dreg:$0x4] =	wrdreg $0xC0  }
0xab: {  	_ =	task [dreg:s7], $0x5FFFF  }
0xac: {  	[dreg:$0x1] =	wrdreg $0xFFFFFFFF  }
0xad: {  	[dreg:$0x0] =	wrdreg $0x60  }
0xae: {  	[dreg:$0x2] =	wrdreg s24  }
0xaf: {  	[dreg:$0x3] =	wrdreg s2  }
0xb0: {  	[dreg:$0x4] =	wrdreg $0x9  }
0xb1: {  	_ =	task.clear_ibuf [dreg:s7], $0x5FFFF;
	_ =	strace $0x90000046  }
0xb2: {  	s29 =	simm.s32 $0x9;
	_ =	strace $0x80000048  }
0xb3: {  	_ =	swait.ge [sflag:s29], $0x1  }
0xb4: {  	[sflag:s29] =	ssyncadd.s32 $0xFFFFFFFF  }
0xb5: {  	_ =	strace $0x90000048  }
0xb6: {  	_ =	sfence  }
0xb7: {  	s30 =	sld [smem:$0x0];
	_ =	sdelay $0x2  }
0xb8: {  	s31 =	sshll.u32 s1, $0xD;
	s1 =	sshrl.u32 s1, $0x2  }
0xb9: {  	s3 =	sand.u32 $0x4000, s31;
	s1 =	sadd.s32 s1, s30  }
0xba: {  	s0 =	sor.u32 s3, s0;
	s1 =	sshll.u32 s1, $0x11  }
0xbb: {  	s0 =	sor.u32 s1, s0  }
0xbc: {  	s0 =	sadd.s32 $0x8F2B, s0  }
0xbd: {  	[sflag:s0] =	ssyncadd.remote.s32 $0x1  }
0xbe: {  	_ =	sfence.sel $0xFFFF  }
0xbf: {  	[dreg:$0x0] =	wrdreg $0xFFFFFFFF;
	(pc) =	sbr.abs _section_cstart, $3  }
0xc0: {  	[dreg:$0x1] =	wrdreg $0xFFFFFFFF  }
0xc1: {  	_ =	task.clear_ibuf [dreg:s7], $0x2FFFF;
	_ =	strace $0x9FFFFFFF  }
0xc2: {  	(tm) =	ssettm $0x7FFFFFFF  }
0xc3: {  	_ =	shalt  }
tec
execute0_lowered:
.L_overlay_start_1:
0x0: {  	(tag) =	ssettag $0x1  }
0x1: {  	s1 =	srdreg.scid;
	s5 =	rddreg [dreg:$0x0]  }
0x2: {  	s0 =	stileid.u32;
	s2 =	rddreg [dreg:$0x1];
	s10 =	simm.s32 $0x9  }
0x3: {  	s11 =	simm.s32 $0x190;
	s12 =	simm.s32 $0x6400;
	s13 =	simm.s32 $0xC800  }
0x4: {  	s14 =	simm.s32 $0x320;
	s15 =	simm.s32 $0x12C00;
	s16 =	simm.s32 $0x1  }
0x5: {  	s17 =	simm.s32 $0x19000;
	s18 =	simm.s32 $0x2;
	s19 =	simm.s32 $0x3  }
0x6: {  	s20 =	simm.s32 $0x4;
	s1 =	sand.u32 $0x1, s1;
	s3 =	sshll.u32 s0, $0x1  }
0x7: {  	s21 =	simm.s32 $0x5;
	s22 =	simm.s32 $0x6;
	s4 =	sor.u32 s1, s3  }
0x8: {  	s23 =	simm.s32 $0x7;
	s24 =	simm.s32 $0x8;
	s4 =	smul.u32 $0x6400, s4  }
.Ltmp0:
0x9: {  	s3 =	simm.s32 $0x0;
	s1 =	ssub.s32 $0x2, s1;
	(pc) =	sbr.rel .LBB2_1-.Ltmp0, $4  }
0xa: {  	s25 =	simm.s32 $0x0;
	[smem:$0x7FF] =	sst s3;
	s7 =	sshrl.u32 s1, $0x1  }
0xb: {  	_ =	strace $0x80000047;
	s1 =	ssub.s32 s1, s7;
	s6 =	sshrl.u32 s4, $0x3  }
0xc: {  	s7 =	sor.u32 $0x190, s4;
	s8 =	sor.u32 $0x320, s4;
	s6 =	sadd.s32 s6, s5  }
0xd: {  	s9 =	smax.u32 s1, $0x1;
	s5 =	sadd.s32 $0xF42E00, s5;
	s6 =	sadd.s32 $0xA00, s6  }
.LBB2_12:
0xe: {  	_ =	swait.ge [sflag:s21], $0x6400  }
0xf: {  	[sflag:s21] =	ssyncset.done $0x0  }
0x10: {  	[sflag:s21] =	ssyncadd.s32 $0xFFFF9C00  }
0x11: {  	_ =	swait.ge [sflag:s22], $0x6400  }
0x12: {  	[sflag:s22] =	ssyncset.done $0x0  }
0x13: {  	s25 =	sadd.s32 $0x1, s25;
	[sflag:s22] =	ssyncadd.s32 $0xFFFF9C00  }
0x14: {  	p0 =	sne.s32 s25, s9;
	_ =	swait.ge [sflag:s23], $0x6400  }
.Ltmp1:
0x15: {  	[sflag:s23] =	ssyncset.done $0x0;
	(pc) =	sbr.rel @!p0 .LBB2_13-.Ltmp1, $4  }
0x16: {  	[sflag:s23] =	ssyncadd.s32 $0xFFFF9C00  }
0x17: {  	_ =	swait.ge [sflag:s24], $0x6400  }
0x18: {  	[sflag:s24] =	ssyncset.done $0x0  }
0x19: {  	[sflag:s24] =	ssyncadd.s32 $0xFFFF9C00  }
.LBB2_1:
0x1a: {  	[tilespmem:s3], [sflag:$0x9] =	stream.linear.gather [hbm4b:s6+s3], $0x6400, $0x38;
	[tilespmem:$0x1F400] =	vst v63  }
0x1b: {  	_ =	swait.ge [sflag:s10], $0x6400  }
0x1c: {  	[sflag:s10] =	ssyncset.done $0x0  }
0x1d: {  	[sflag:s10] =	ssyncadd.s32 $0xFFFF9C00  }
0x1e: {  	[tilespmem:s12], [sflag:$0x1] =	stream.indirect.gather [hbm4b:s5+s11], $0x40, s3, s11, $0xb8;
	[tilespmem:$0x1F400] =	vst v63  }
0x1f: {  	_ = 	snop  }
0x20: {  	[tilespmem:s13], [sflag:$0x2] =	stream.indirect.gather [hbm4b:s5+s11], $0x40, s11, s11, $0xb8;
	[tilespmem:$0x1F400] =	vst v63  }
0x21: {  	s26 =	simm.s32 $0x0  }
0x22: {  	[tilespmem:s15], [sflag:$0x3] =	stream.indirect.gather [hbm4b:s5+s11], $0x40, s14, s11, $0xb8;
	[tilespmem:$0x1F400] =	vst v63  }
.LBB2_2:
0x23: {  	_ =	swait.ge [sflag:s16], $0x6400  }
0x24: {  	[sflag:s16] =	ssyncset.done $0x0  }
0x25: {  	s28 =	simm.s32 $0x0;
	[sflag:s16] =	ssyncadd.s32 $0xFFFF9C00  }
0x26: {  	v0 =	vld [tilespmem:s28+$0x6400]  }
0x27: {  	v1 =	vld [tilespmem:s28+$0x6410]  }
0x28: {  	v2 =	vld [tilespmem:s28+$0x6420]  }
0x29: {  	v3 =	vld [tilespmem:s28+$0x6430]  }
0x2a: {  	v4 =	vld [tilespmem:s28+$0x6440]  }
0x2b: {  	v5 =	vld [tilespmem:s28+$0x6450];
	v0 =	vmul.f32 $8.000000000e+00, v0  }
0x2c: {  	v6 =	vld [tilespmem:s28+$0x6460];
	v1 =	vmul.f32 $8.000000000e+00, v1  }
0x2d: {  	v7 =	vld [tilespmem:s28+$0x6470];
	[tilespmem:s28+$0x6400] =	vst v0;
	v0 =	vmul.f32 $8.000000000e+00, v2  }
0x2e: {  	v8 =	vld [tilespmem:s28+$0x6480];
	[tilespmem:s28+$0x6410] =	vst v1;
	v1 =	vmul.f32 $8.000000000e+00, v3  }
0x2f: {  	v9 =	vld [tilespmem:s28+$0x6490];
	[tilespmem:s28+$0x6420] =	vst v0;
	v0 =	vmul.f32 $8.000000000e+00, v4  }
0x30: {  	v2 =	vmul.f32 $8.000000000e+00, v5;
	[tilespmem:s28+$0x6430] =	vst v1;
	v1 =	vld [tilespmem:s28+$0x64A0]  }
0x31: {  	v3 =	vmul.f32 $8.000000000e+00, v6;
	[tilespmem:s28+$0x6440] =	vst v0;
	v0 =	vld [tilespmem:s28+$0x64B0]  }
0x32: {  	[tilespmem:s28+$0x6450] =	vst v2;
	v2 =	vld [tilespmem:s28+$0x64C0];
	v4 =	vmul.f32 $8.000000000e+00, v7  }
0x33: {  	v6 =	vmul.f32 $8.000000000e+00, v8;
	[tilespmem:s28+$0x6460] =	vst v3;
	v3 =	vld [tilespmem:s28+$0x64D0]  }
0x34: {  	s29 =	simm.s32 $0x400;
	v5 =	vmul.f32 $8.000000000e+00, v9;
	[tilespmem:s28+$0x6470] =	vst v4;
	v4 =	vld [tilespmem:s28+$0x64E0]  }
.LBB2_3:
0x35: {  	s1 =	sshra.s32 s29, $0x2;
	p0 =	sne.s32 s29, $0x18C00;
	[tilespmem:s28+$0x6480] =	vst v6;
	v1 =	vmul.f32 $8.000000000e+00, v1;
	v6 =	vld [tilespmem:s28+$0x64F0]  }
0x36: {  	v7 =	vld [tilespmem:s1+$0x6400];
	[tilespmem:s28+$0x6490] =	vst v5;
	v0 =	vmul.f32 $8.000000000e+00, v0  }
0x37: {  	v5 =	vld [tilespmem:s1+$0x6410];
	[tilespmem:s28+$0x64A0] =	vst v1;
	v1 =	vmul.f32 $8.000000000e+00, v2  }
0x38: {  	v2 =	vld [tilespmem:s1+$0x6420];
	[tilespmem:s28+$0x64B0] =	vst v0;
	v0 =	vmul.f32 $8.000000000e+00, v3  }
0x39: {  	v3 =	vld [tilespmem:s1+$0x6430];
	[tilespmem:s28+$0x64C0] =	vst v1;
	v1 =	vmul.f32 $8.000000000e+00, v4  }
0x3a: {  	v4 =	vld [tilespmem:s1+$0x6440];
	[tilespmem:s28+$0x64D0] =	vst v0;
	v0 =	vmul.f32 $8.000000000e+00, v6  }
0x3b: {  	v6 =	vmul.f32 $8.000000000e+00, v7;
	v7 =	vld [tilespmem:s1+$0x6450];
	[tilespmem:s28+$0x64E0] =	vst v1  }
0x3c: {  	v1 =	vmul.f32 $8.000000000e+00, v5;
	v5 =	vld [tilespmem:s1+$0x6460];
	[tilespmem:s28+$0x64F0] =	vst v0;
	s28 =	smov.u32 s1  }
0x3d: {  	[tilespmem:s28+$0x6400] =	vst v6;
	v0 =	vmul.f32 $8.000000000e+00, v2;
	v2 =	vld [tilespmem:s28+$0x6470]  }
0x3e: {  	[tilespmem:s28+$0x6410] =	vst v1;
	v1 =	vmul.f32 $8.000000000e+00, v3;
	v3 =	vld [tilespmem:s28+$0x6480]  }
0x3f: {  	[tilespmem:s28+$0x6420] =	vst v0;
	v0 =	vmul.f32 $8.000000000e+00, v4;
	v4 =	vld [tilespmem:s28+$0x6490]  }
.Ltmp2:
0x40: {  	[tilespmem:s28+$0x6430] =	vst v1;
	v6 =	vmul.f32 $8.000000000e+00, v7;
	v1 =	vld [tilespmem:s28+$0x64A0];
	(pc) =	sbr.rel @p0 .LBB2_3-.Ltmp2, $4  }
0x41: {  	[tilespmem:s28+$0x6440] =	vst v0;
	v5 =	vmul.f32 $8.000000000e+00, v5;
	v0 =	vld [tilespmem:s28+$0x64B0]  }
0x42: {  	[tilespmem:s28+$0x6450] =	vst v6;
	v7 =	vmul.f32 $8.000000000e+00, v2;
	v2 =	vld [tilespmem:s28+$0x64C0]  }
0x43: {  	[tilespmem:s28+$0x6460] =	vst v5;
	v6 =	vmul.f32 $8.000000000e+00, v3;
	v3 =	vld [tilespmem:s28+$0x64D0]  }
0x44: {  	s29 =	sadd.s32 $0x400, s29;
	[tilespmem:s28+$0x6470] =	vst v7;
	v5 =	vmul.f32 $8.000000000e+00, v4;
	v4 =	vld [tilespmem:s28+$0x64E0]  }
0x45: {  	[tilespmem:s28+$0x6480] =	vst v6;
	v1 =	vmul.f32 $8.000000000e+00, v1;
	v6 =	vld [tilespmem:s28+$0x64F0]  }
0x46: {  	[tilespmem:s28+$0x6490] =	vst v5;
	v0 =	vmul.f32 $8.000000000e+00, v0  }
0x47: {  	[tilespmem:s28+$0x64A0] =	vst v1;
	v1 =	vmul.f32 $8.000000000e+00, v2  }
0x48: {  	s29 =	smul.u32 $0x640, s26;
	[tilespmem:s28+$0x64B0] =	vst v0;
	v0 =	vmul.f32 $8.000000000e+00, v3  }
0x49: {  	[tilespmem:s28+$0x64C0] =	vst v1;
	v1 =	vmul.f32 $8.000000000e+00, v4  }
0x4a: {  	s1 =	sadd.s32 s4, s29;
	[tilespmem:s28+$0x64D0] =	vst v0;
	v0 =	vmul.f32 $8.000000000e+00, v6  }
0x4b: {  	s1 =	sshll.u32 s1, $0x3;
	[tilespmem:s28+$0x64E0] =	vst v1  }
0x4c: {  	p0 =	seq.s32 s26, $0x0;
	s1 =	sadd.s32 s2, s1;
	[tilespmem:s28+$0x64F0] =	vst v0  }
0x4d: {  	[hbm4b:s1+s3] =	stream.linear.scatter [tilespmem:s12], [sflag:$0x5], $0x6400, $0x38;
	[tilespmem:$0x1F400] =	vst v63  }
0x4e: {  	s28 =	sshllo.u32 s26, $0x2;
	s1 =	simm.s32 @!p0 $0x8  }
0x4f: {  	s30 =	smul.u32 $0x640, s28;
	_ =	swait.ge @!p0 [sflag:s1], $0x6400  }
0x50: {  	[sflag:s1] =	ssyncset.done @!p0 $0x0  }
0x51: {  	s0 =	sshra.s32 s30, $0x2;
	[sflag:s1] =	ssyncadd.s32 @!p0 $0xFFFF9C00  }
0x52: {  	[tilespmem:s17], [sflag:$0x4] =	stream.indirect.gather [hbm4b:s5+s11], $0x40, s0, s11, $0xb8;
	[tilespmem:$0x1F400] =	vst v63  }
0x53: {  	_ =	swait.ge [sflag:s18], $0x6400  }
0x54: {  	[sflag:s18] =	ssyncset.done $0x0  }
0x55: {  	s30 =	simm.s32 $0x0;
	[sflag:s18] =	ssyncadd.s32 $0xFFFF9C00  }
0x56: {  	v0 =	vld [tilespmem:s30+$0xC800]  }
0x57: {  	v1 =	vld [tilespmem:s30+$0xC810]  }
0x58: {  	v2 =	vld [tilespmem:s30+$0xC820]  }
0x59: {  	v3 =	vld [tilespmem:s30+$0xC830]  }
0x5a: {  	v4 =	vld [tilespmem:s30+$0xC840]  }
0x5b: {  	v5 =	vld [tilespmem:s30+$0xC850];
	v0 =	vmul.f32 $8.000000000e+00, v0  }
0x5c: {  	v6 =	vld [tilespmem:s30+$0xC860];
	v1 =	vmul.f32 $8.000000000e+00, v1  }
0x5d: {  	v7 =	vld [tilespmem:s30+$0xC870];
	[tilespmem:s30+$0xC800] =	vst v0;
	v0 =	vmul.f32 $8.000000000e+00, v2  }
0x5e: {  	v8 =	vld [tilespmem:s30+$0xC880];
	[tilespmem:s30+$0xC810] =	vst v1;
	v1 =	vmul.f32 $8.000000000e+00, v3  }
0x5f: {  	v9 =	vld [tilespmem:s30+$0xC890];
	[tilespmem:s30+$0xC820] =	vst v0;
	v0 =	vmul.f32 $8.000000000e+00, v4  }
0x60: {  	v2 =	vmul.f32 $8.000000000e+00, v5;
	[tilespmem:s30+$0xC830] =	vst v1;
	v1 =	vld [tilespmem:s30+$0xC8A0]  }
0x61: {  	v3 =	vmul.f32 $8.000000000e+00, v6;
	[tilespmem:s30+$0xC840] =	vst v0;
	v0 =	vld [tilespmem:s30+$0xC8B0]  }
0x62: {  	[tilespmem:s30+$0xC850] =	vst v2;
	v2 =	vld [tilespmem:s30+$0xC8C0];
	v4 =	vmul.f32 $8.000000000e+00, v7  }
0x63: {  	v6 =	vmul.f32 $8.000000000e+00, v8;
	[tilespmem:s30+$0xC860] =	vst v3;
	v3 =	vld [tilespmem:s30+$0xC8D0]  }
0x64: {  	s31 =	simm.s32 $0x400;
	v5 =	vmul.f32 $8.000000000e+00, v9;
	[tilespmem:s30+$0xC870] =	vst v4;
	v4 =	vld [tilespmem:s30+$0xC8E0]  }
.LBB2_5:
0x65: {  	s1 =	sshra.s32 s31, $0x2;
	p0 =	sne.s32 s31, $0x18C00;
	[tilespmem:s30+$0xC880] =	vst v6;
	v1 =	vmul.f32 $8.000000000e+00, v1;
	v6 =	vld [tilespmem:s30+$0xC8F0]  }
0x66: {  	v7 =	vld [tilespmem:s1+$0xC800];
	[tilespmem:s30+$0xC890] =	vst v5;
	v0 =	vmul.f32 $8.000000000e+00, v0  }
0x67: {  	v5 =	vld [tilespmem:s1+$0xC810];
	[tilespmem:s30+$0xC8A0] =	vst v1;
	v1 =	vmul.f32 $8.000000000e+00, v2  }
0x68: {  	v2 =	vld [tilespmem:s1+$0xC820];
	[tilespmem:s30+$0xC8B0] =	vst v0;
	v0 =	vmul.f32 $8.000000000e+00, v3  }
0x69: {  	v3 =	vld [tilespmem:s1+$0xC830];
	[tilespmem:s30+$0xC8C0] =	vst v1;
	v1 =	vmul.f32 $8.000000000e+00, v4  }
0x6a: {  	v4 =	vld [tilespmem:s1+$0xC840];
	[tilespmem:s30+$0xC8D0] =	vst v0;
	v0 =	vmul.f32 $8.000000000e+00, v6  }
0x6b: {  	v6 =	vmul.f32 $8.000000000e+00, v7;
	v7 =	vld [tilespmem:s1+$0xC850];
	[tilespmem:s30+$0xC8E0] =	vst v1  }
0x6c: {  	v1 =	vmul.f32 $8.000000000e+00, v5;
	v5 =	vld [tilespmem:s1+$0xC860];
	[tilespmem:s30+$0xC8F0] =	vst v0;
	s30 =	smov.u32 s1  }
0x6d: {  	[tilespmem:s30+$0xC800] =	vst v6;
	v0 =	vmul.f32 $8.000000000e+00, v2;
	v2 =	vld [tilespmem:s30+$0xC870]  }
0x6e: {  	[tilespmem:s30+$0xC810] =	vst v1;
	v1 =	vmul.f32 $8.000000000e+00, v3;
	v3 =	vld [tilespmem:s30+$0xC880]  }
0x6f: {  	[tilespmem:s30+$0xC820] =	vst v0;
	v0 =	vmul.f32 $8.000000000e+00, v4;
	v4 =	vld [tilespmem:s30+$0xC890]  }
.Ltmp3:
0x70: {  	[tilespmem:s30+$0xC830] =	vst v1;
	v6 =	vmul.f32 $8.000000000e+00, v7;
	v1 =	vld [tilespmem:s30+$0xC8A0];
	(pc) =	sbr.rel @p0 .LBB2_5-.Ltmp3, $4  }
0x71: {  	[tilespmem:s30+$0xC840] =	vst v0;
	v5 =	vmul.f32 $8.000000000e+00, v5;
	v0 =	vld [tilespmem:s30+$0xC8B0]  }
0x72: {  	[tilespmem:s30+$0xC850] =	vst v6;
	v7 =	vmul.f32 $8.000000000e+00, v2;
	v2 =	vld [tilespmem:s30+$0xC8C0]  }
0x73: {  	[tilespmem:s30+$0xC860] =	vst v5;
	v6 =	vmul.f32 $8.000000000e+00, v3;
	v3 =	vld [tilespmem:s30+$0xC8D0]  }
0x74: {  	s31 =	sadd.s32 $0x400, s31;
	[tilespmem:s30+$0xC870] =	vst v7;
	v5 =	vmul.f32 $8.000000000e+00, v4;
	v4 =	vld [tilespmem:s30+$0xC8E0]  }
0x75: {  	[tilespmem:s30+$0xC880] =	vst v6;
	v1 =	vmul.f32 $8.000000000e+00, v1;
	v6 =	vld [tilespmem:s30+$0xC8F0]  }
0x76: {  	[tilespmem:s30+$0xC890] =	vst v5;
	v0 =	vmul.f32 $8.000000000e+00, v0  }
0x77: {  	[tilespmem:s30+$0xC8A0] =	vst v1;
	v1 =	vmul.f32 $8.000000000e+00, v2  }
0x78: {  	[tilespmem:s30+$0xC8B0] =	vst v0;
	v0 =	vmul.f32 $8.000000000e+00, v3  }
0x79: {  	s1 =	sadd.s32 s29, s7;
	[tilespmem:s30+$0xC8C0] =	vst v1;
	v1 =	vmul.f32 $8.000000000e+00, v4  }
0x7a: {  	s1 =	sshll.u32 s1, $0x3;
	[tilespmem:s30+$0xC8D0] =	vst v0;
	v0 =	vmul.f32 $8.000000000e+00, v6  }
0x7b: {  	s1 =	sand.u32 $0x1FFFFE80, s1;
	[tilespmem:s30+$0xC8E0] =	vst v1  }
0x7c: {  	p0 =	seq.s32 s26, $0xF;
	s1 =	sadd.s32 s2, s1;
	[tilespmem:s30+$0xC8F0] =	vst v0  }
0x7d: {  	[hbm4b:s1+s3] =	stream.linear.scatter [tilespmem:s13], [sflag:$0x6], $0x6400, $0x38;
	[tilespmem:$0x1F400] =	vst v63  }
0x7e: {  	s30 =	smul.u32 @!p0 $0x1900, s26;
	s1 =	simm.s32 @!p0 $0x5  }
0x7f: {  	_ =	swait.ge @!p0 [sflag:s1], $0x6400  }
0x80: {  	s31 =	simm.s32 @!p0 $0x190;
	s30 =	sshra.s32 @!p0 s30, $0x2;
	[sflag:s1] =	ssyncset.done @!p0 $0x0  }
0x81: {  	s0 =	simm.s32 @!p0 $0x6400;
	[sflag:s1] =	ssyncadd.s32 @!p0 $0xFFFF9C00;
	s1 =	sadd.s32 @!p0 $0x640, s30  }
0x82: {  	[tilespmem:s0], [sflag:$0x1] =	stream.indirect.gather @!p0 [hbm4b:s5+s31], $0x40, s1, s31, $0xb8;
	[tilespmem:$0x1F400] =	vst v63  }
0x83: {  	_ =	swait.ge [sflag:s19], $0x6400  }
0x84: {  	[sflag:s19] =	ssyncset.done $0x0  }
0x85: {  	s31 =	simm.s32 $0x0;
	[sflag:s19] =	ssyncadd.s32 $0xFFFF9C00  }
0x86: {  	v0 =	vld [tilespmem:s31+$0x12C00]  }
0x87: {  	v1 =	vld [tilespmem:s31+$0x12C10]  }
0x88: {  	v2 =	vld [tilespmem:s31+$0x12C20]  }
0x89: {  	v3 =	vld [tilespmem:s31+$0x12C30]  }
0x8a: {  	v4 =	vld [tilespmem:s31+$0x12C40]  }
0x8b: {  	v5 =	vld [tilespmem:s31+$0x12C50];
	v0 =	vmul.f32 $8.000000000e+00, v0  }
0x8c: {  	v6 =	vld [tilespmem:s31+$0x12C60];
	v1 =	vmul.f32 $8.000000000e+00, v1  }
0x8d: {  	v7 =	vld [tilespmem:s31+$0x12C70];
	[tilespmem:s31+$0x12C00] =	vst v0;
	v0 =	vmul.f32 $8.000000000e+00, v2  }
0x8e: {  	v8 =	vld [tilespmem:s31+$0x12C80];
	[tilespmem:s31+$0x12C10] =	vst v1;
	v1 =	vmul.f32 $8.000000000e+00, v3  }
0x8f: {  	v9 =	vld [tilespmem:s31+$0x12C90];
	[tilespmem:s31+$0x12C20] =	vst v0;
	v0 =	vmul.f32 $8.000000000e+00, v4  }
0x90: {  	v2 =	vmul.f32 $8.000000000e+00, v5;
	[tilespmem:s31+$0x12C30] =	vst v1;
	v1 =	vld [tilespmem:s31+$0x12CA0]  }
0x91: {  	v3 =	vmul.f32 $8.000000000e+00, v6;
	[tilespmem:s31+$0x12C40] =	vst v0;
	v0 =	vld [tilespmem:s31+$0x12CB0]  }
0x92: {  	[tilespmem:s31+$0x12C50] =	vst v2;
	v2 =	vld [tilespmem:s31+$0x12CC0];
	v4 =	vmul.f32 $8.000000000e+00, v7  }
0x93: {  	v6 =	vmul.f32 $8.000000000e+00, v8;
	[tilespmem:s31+$0x12C60] =	vst v3;
	v3 =	vld [tilespmem:s31+$0x12CD0]  }
0x94: {  	s1 =	simm.s32 $0x400;
	v5 =	vmul.f32 $8.000000000e+00, v9;
	[tilespmem:s31+$0x12C70] =	vst v4;
	v4 =	vld [tilespmem:s31+$0x12CE0]  }
.LBB2_7:
0x95: {  	s0 =	sshra.s32 s1, $0x2;
	p1 =	sne.s32 s1, $0x18C00;
	[tilespmem:s31+$0x12C80] =	vst v6;
	v1 =	vmul.f32 $8.000000000e+00, v1;
	v6 =	vld [tilespmem:s31+$0x12CF0]  }
0x96: {  	v7 =	vld [tilespmem:s0+$0x12C00];
	[tilespmem:s31+$0x12C90] =	vst v5;
	v0 =	vmul.f32 $8.000000000e+00, v0  }
0x97: {  	v5 =	vld [tilespmem:s0+$0x12C10];
	[tilespmem:s31+$0x12CA0] =	vst v1;
	v1 =	vmul.f32 $8.000000000e+00, v2  }
0x98: {  	v2 =	vld [tilespmem:s0+$0x12C20];
	[tilespmem:s31+$0x12CB0] =	vst v0;
	v0 =	vmul.f32 $8.000000000e+00, v3  }
0x99: {  	v3 =	vld [tilespmem:s0+$0x12C30];
	[tilespmem:s31+$0x12CC0] =	vst v1;
	v1 =	vmul.f32 $8.000000000e+00, v4  }
0x9a: {  	v4 =	vld [tilespmem:s0+$0x12C40];
	[tilespmem:s31+$0x12CD0] =	vst v0;
	v0 =	vmul.f32 $8.000000000e+00, v6  }
0x9b: {  	v6 =	vmul.f32 $8.000000000e+00, v7;
	v7 =	vld [tilespmem:s0+$0x12C50];
	[tilespmem:s31+$0x12CE0] =	vst v1  }
0x9c: {  	v1 =	vmul.f32 $8.000000000e+00, v5;
	v5 =	vld [tilespmem:s0+$0x12C60];
	[tilespmem:s31+$0x12CF0] =	vst v0;
	s31 =	smov.u32 s0  }
0x9d: {  	[tilespmem:s31+$0x12C00] =	vst v6;
	v0 =	vmul.f32 $8.000000000e+00, v2;
	v2 =	vld [tilespmem:s31+$0x12C70]  }
0x9e: {  	[tilespmem:s31+$0x12C10] =	vst v1;
	v1 =	vmul.f32 $8.000000000e+00, v3;
	v3 =	vld [tilespmem:s31+$0x12C80]  }
0x9f: {  	[tilespmem:s31+$0x12C20] =	vst v0;
	v0 =	vmul.f32 $8.000000000e+00, v4;
	v4 =	vld [tilespmem:s31+$0x12C90]  }
.Ltmp4:
0xa0: {  	[tilespmem:s31+$0x12C30] =	vst v1;
	v6 =	vmul.f32 $8.000000000e+00, v7;
	v1 =	vld [tilespmem:s31+$0x12CA0];
	(pc) =	sbr.rel @p1 .LBB2_7-.Ltmp4, $4  }
0xa1: {  	[tilespmem:s31+$0x12C40] =	vst v0;
	v5 =	vmul.f32 $8.000000000e+00, v5;
	v0 =	vld [tilespmem:s31+$0x12CB0]  }
0xa2: {  	[tilespmem:s31+$0x12C50] =	vst v6;
	v7 =	vmul.f32 $8.000000000e+00, v2;
	v2 =	vld [tilespmem:s31+$0x12CC0]  }
0xa3: {  	[tilespmem:s31+$0x12C60] =	vst v5;
	v6 =	vmul.f32 $8.000000000e+00, v3;
	v3 =	vld [tilespmem:s31+$0x12CD0]  }
0xa4: {  	s1 =	sadd.s32 $0x400, s1;
	[tilespmem:s31+$0x12C70] =	vst v7;
	v5 =	vmul.f32 $8.000000000e+00, v4;
	v4 =	vld [tilespmem:s31+$0x12CE0]  }
0xa5: {  	[tilespmem:s31+$0x12C80] =	vst v6;
	v1 =	vmul.f32 $8.000000000e+00, v1;
	v6 =	vld [tilespmem:s31+$0x12CF0]  }
0xa6: {  	[tilespmem:s31+$0x12C90] =	vst v5;
	v0 =	vmul.f32 $8.000000000e+00, v0  }
0xa7: {  	[tilespmem:s31+$0x12CA0] =	vst v1;
	v1 =	vmul.f32 $8.000000000e+00, v2  }
0xa8: {  	[tilespmem:s31+$0x12CB0] =	vst v0;
	v0 =	vmul.f32 $8.000000000e+00, v3  }
0xa9: {  	s0 =	sadd.s32 s29, s8;
	[tilespmem:s31+$0x12CC0] =	vst v1;
	v1 =	vmul.f32 $8.000000000e+00, v4  }
0xaa: {  	s0 =	sshll.u32 s0, $0x3;
	[tilespmem:s31+$0x12CD0] =	vst v0;
	v0 =	vmul.f32 $8.000000000e+00, v6  }
0xab: {  	s0 =	sand.u32 $0x1FFFFF00, s0;
	[tilespmem:s31+$0x12CE0] =	vst v1  }
0xac: {  	s0 =	sadd.s32 s2, s0;
	[tilespmem:s31+$0x12CF0] =	vst v0  }
0xad: {  	[hbm4b:s0+s3] =	stream.linear.scatter [tilespmem:s15], [sflag:$0x7], $0x6400, $0x38;
	[tilespmem:$0x1F400] =	vst v63  }
0xae: {  	s0 =	simm.s32 @!p0 $0x6  }
0xaf: {  	_ =	swait.ge @!p0 [sflag:s0], $0x6400  }
0xb0: {  	s1 =	simm.s32 @!p0 $0x190;
	[sflag:s0] =	ssyncset.done @!p0 $0x0  }
0xb1: {  	s29 =	simm.s32 @!p0 $0xC800;
	[sflag:s0] =	ssyncadd.s32 @!p0 $0xFFFF9C00;
	s0 =	sadd.s32 @!p0 $0x7D0, s30  }
0xb2: {  	[tilespmem:s29], [sflag:$0x2] =	stream.indirect.gather @!p0 [hbm4b:s5+s1], $0x40, s0, s1, $0xb8;
	[tilespmem:$0x1F400] =	vst v63  }
0xb3: {  	_ =	swait.ge [sflag:s20], $0x6400  }
0xb4: {  	[sflag:s20] =	ssyncset.done $0x0  }
0xb5: {  	s29 =	simm.s32 $0x0;
	[sflag:s20] =	ssyncadd.s32 $0xFFFF9C00  }
0xb6: {  	v0 =	vld [tilespmem:s29+$0x19000]  }
0xb7: {  	v1 =	vld [tilespmem:s29+$0x19010]  }
0xb8: {  	v2 =	vld [tilespmem:s29+$0x19020]  }
0xb9: {  	v3 =	vld [tilespmem:s29+$0x19030]  }
0xba: {  	v4 =	vld [tilespmem:s29+$0x19040]  }
0xbb: {  	v5 =	vld [tilespmem:s29+$0x19050];
	v0 =	vmul.f32 $8.000000000e+00, v0  }
0xbc: {  	v6 =	vld [tilespmem:s29+$0x19060];
	v1 =	vmul.f32 $8.000000000e+00, v1  }
0xbd: {  	v7 =	vld [tilespmem:s29+$0x19070];
	[tilespmem:s29+$0x19000] =	vst v0;
	v0 =	vmul.f32 $8.000000000e+00, v2  }
0xbe: {  	v8 =	vld [tilespmem:s29+$0x19080];
	[tilespmem:s29+$0x19010] =	vst v1;
	v1 =	vmul.f32 $8.000000000e+00, v3  }
0xbf: {  	v9 =	vld [tilespmem:s29+$0x19090];
	[tilespmem:s29+$0x19020] =	vst v0;
	v0 =	vmul.f32 $8.000000000e+00, v4  }
0xc0: {  	v2 =	vmul.f32 $8.000000000e+00, v5;
	[tilespmem:s29+$0x19030] =	vst v1;
	v1 =	vld [tilespmem:s29+$0x190A0]  }
0xc1: {  	v3 =	vmul.f32 $8.000000000e+00, v6;
	[tilespmem:s29+$0x19040] =	vst v0;
	v0 =	vld [tilespmem:s29+$0x190B0]  }
0xc2: {  	[tilespmem:s29+$0x19050] =	vst v2;
	v2 =	vld [tilespmem:s29+$0x190C0];
	v4 =	vmul.f32 $8.000000000e+00, v7  }
0xc3: {  	v6 =	vmul.f32 $8.000000000e+00, v8;
	[tilespmem:s29+$0x19060] =	vst v3;
	v3 =	vld [tilespmem:s29+$0x190D0]  }
0xc4: {  	s1 =	simm.s32 $0x400;
	v5 =	vmul.f32 $8.000000000e+00, v9;
	[tilespmem:s29+$0x19070] =	vst v4;
	v4 =	vld [tilespmem:s29+$0x190E0]  }
.LBB2_9:
0xc5: {  	s0 =	sshra.s32 s1, $0x2;
	p1 =	sne.s32 s1, $0x18C00;
	[tilespmem:s29+$0x19080] =	vst v6;
	v1 =	vmul.f32 $8.000000000e+00, v1;
	v6 =	vld [tilespmem:s29+$0x190F0]  }
0xc6: {  	v7 =	vld [tilespmem:s0+$0x19000];
	[tilespmem:s29+$0x19090] =	vst v5;
	v0 =	vmul.f32 $8.000000000e+00, v0  }
0xc7: {  	v5 =	vld [tilespmem:s0+$0x19010];
	[tilespmem:s29+$0x190A0] =	vst v1;
	v1 =	vmul.f32 $8.000000000e+00, v2  }
0xc8: {  	v2 =	vld [tilespmem:s0+$0x19020];
	[tilespmem:s29+$0x190B0] =	vst v0;
	v0 =	vmul.f32 $8.000000000e+00, v3  }
0xc9: {  	v3 =	vld [tilespmem:s0+$0x19030];
	[tilespmem:s29+$0x190C0] =	vst v1;
	v1 =	vmul.f32 $8.000000000e+00, v4  }
0xca: {  	v4 =	vld [tilespmem:s0+$0x19040];
	[tilespmem:s29+$0x190D0] =	vst v0;
	v0 =	vmul.f32 $8.000000000e+00, v6  }
0xcb: {  	v6 =	vmul.f32 $8.000000000e+00, v7;
	v7 =	vld [tilespmem:s0+$0x19050];
	[tilespmem:s29+$0x190E0] =	vst v1  }
0xcc: {  	v1 =	vmul.f32 $8.000000000e+00, v5;
	v5 =	vld [tilespmem:s0+$0x19060];
	[tilespmem:s29+$0x190F0] =	vst v0;
	s29 =	smov.u32 s0  }
0xcd: {  	[tilespmem:s29+$0x19000] =	vst v6;
	v0 =	vmul.f32 $8.000000000e+00, v2;
	v2 =	vld [tilespmem:s29+$0x19070]  }
0xce: {  	[tilespmem:s29+$0x19010] =	vst v1;
	v1 =	vmul.f32 $8.000000000e+00, v3;
	v3 =	vld [tilespmem:s29+$0x19080]  }
0xcf: {  	[tilespmem:s29+$0x19020] =	vst v0;
	v0 =	vmul.f32 $8.000000000e+00, v4;
	v4 =	vld [tilespmem:s29+$0x19090]  }
.Ltmp5:
0xd0: {  	[tilespmem:s29+$0x19030] =	vst v1;
	v6 =	vmul.f32 $8.000000000e+00, v7;
	v1 =	vld [tilespmem:s29+$0x190A0];
	(pc) =	sbr.rel @p1 .LBB2_9-.Ltmp5, $4  }
0xd1: {  	[tilespmem:s29+$0x19040] =	vst v0;
	v5 =	vmul.f32 $8.000000000e+00, v5;
	v0 =	vld [tilespmem:s29+$0x190B0]  }
0xd2: {  	[tilespmem:s29+$0x19050] =	vst v6;
	v7 =	vmul.f32 $8.000000000e+00, v2;
	v2 =	vld [tilespmem:s29+$0x190C0]  }
0xd3: {  	[tilespmem:s29+$0x19060] =	vst v5;
	v6 =	vmul.f32 $8.000000000e+00, v3;
	v3 =	vld [tilespmem:s29+$0x190D0]  }
0xd4: {  	s1 =	sadd.s32 $0x400, s1;
	[tilespmem:s29+$0x19070] =	vst v7;
	v5 =	vmul.f32 $8.000000000e+00, v4;
	v4 =	vld [tilespmem:s29+$0x190E0]  }
0xd5: {  	[tilespmem:s29+$0x19080] =	vst v6;
	v1 =	vmul.f32 $8.000000000e+00, v1;
	v59 =	vld [tilespmem:s29+$0x190F0]  }
0xd6: {  	[tilespmem:s29+$0x19090] =	vst v5;
	v0 =	vmul.f32 $8.000000000e+00, v0  }
0xd7: {  	s0 =	smul.u32 $0x190, s28;
	[tilespmem:s29+$0x190A0] =	vst v1;
	v60 =	vmul.f32 $8.000000000e+00, v2  }
0xd8: {  	[tilespmem:s29+$0x190B0] =	vst v0;
	v61 =	vmul.f32 $8.000000000e+00, v3  }
.Ltmp6:
0xd9: {  	s0 =	sadd.s32 s4, s0;
	[tilespmem:s29+$0x190C0] =	vst v60;
	v62 =	vmul.f32 $8.000000000e+00, v4;
	(pc) =	sbr.rel @p0 .LBB2_12-.Ltmp6, $4  }
0xda: {  	s0 =	sshll.u32 s0, $0x3;
	[tilespmem:s29+$0x190D0] =	vst v61;
	v63 =	vmul.f32 $8.000000000e+00, v59  }
0xdb: {  	s0 =	sand.u32 $0x1FFFFF80, s0;
	[tilespmem:s29+$0x190E0] =	vst v62  }
0xdc: {  	s0 =	sadd.s32 s2, s0;
	[tilespmem:s29+$0x190F0] =	vst v63  }
0xdd: {  	[hbm4b:s0+s3] =	stream.linear.scatter [tilespmem:s17], [sflag:$0x8], $0x6400, $0x38;
	[tilespmem:$0x1F400] =	vst v63  }
0xde: {  	s0 =	smul.u32 $0x1900, s26  }
.Ltmp7:
0xdf: {  	_ = 	snop;
	(pc) =	sbr.rel .LBB2_2-.Ltmp7, $4  }
0xe0: {  	_ =	swait.ge [sflag:s23], $0x6400  }
0xe1: {  	[sflag:s23] =	ssyncset.done $0x0;
	s0 =	sshra.s32 s0, $0x2  }
0xe2: {  	s26 =	sadd.s32 $0x1, s26;
	[sflag:s23] =	ssyncadd.s32 $0xFFFF9C00;
	s0 =	sadd.s32 $0x960, s0  }
0xe3: {  	[tilespmem:s15], [sflag:$0x3] =	stream.indirect.gather [hbm4b:s5+s11], $0x40, s0, s11, $0xb8;
	[tilespmem:$0x1F400] =	vst v63  }
.LBB2_13:
0xe4: {  	_ =	sfence.sel $0x180000  }
0xe5: {  	[bflag:$0x0] =	sbarrier.arrive $0xFFFF  }
0xe6: {  	_ =	strace $0x90000047  }
0xe7: {  	s0 =	stileid.u32;
	[bflag:$0x2] =	sbarrier.arrive $0xFFFF  }
0xe8: {  	p0 =	sne.s32 s0, $0x0;
	s0 =	rddreg [dreg:$0x2]  }
0xe9: {  	s0 =	sadd.s32 @!p0 $0x100000, s0  }
0xea: {  	[sflag:s0] =	ssyncadd.tile.s32 @!p0 $0x1;
	_ =	shalt  }
.Lfunc_end2:
_tile_overlayer_lowered:
.L_overlay_start_2:
0xeb: {  	(tag) =	ssettag $0x2  }
0xec: {  	s0 =	rddreg [dreg:$0x0];
	s2 =	stileid.u32  }
0xed: {  	s1 =	rddreg [dreg:$0x1];
	p0 =	sne.s32 s2, $0x0  }
0xee: {  	s3 =	rddreg [dreg:$0x2];
	[bflag:$0x3] =	sbarrier.arrive $0xFFFF;
	s2 =	simm.s32 @!p0 $0x1C09  }
0xef: {  	[timem:s3], [sflag:s2] =	dma.local @!p0 [hbm:s0], s1  }
0xf0: {  	s0 =	simm.s32 @!p0 $0x9  }
0xf1: {  	_ =	swait.ge @!p0 [sflag:s0], s1  }
0xf2: {  	s1 =	ssub.s32 @!p0 $0x0, s1;
	[sflag:s0] =	ssyncset.done @!p0 $0x0  }
0xf3: {  	[sflag:s0] =	ssyncadd.s32 @!p0 s1  }
0xf4: {  	[bflag:$0x3] =	sbarrier.arrive $0xFFFF  }
0xf5: {  	_ =	shalt  }

// kernel: sparse-core-data-format-call.cloned.1.call-start
scs
called_computation_lowered:
.L_overlay_start_0:
0x0: {  	s2 =	sld [smem:$0x3FD9]  }
0x1: {  	s3 =	sld [smem:$0x3FFE];
	_ =	sdelay $0x1  }
0x2: {  	s1 =	srdreg.scid  }
0x3: {  	s0 =	sand.u32 $0x1, s1  }
0x4: {  	s18 =	sshll.u32 s0, $0xA;
	s2 =	sadd.s32 s3, s2  }
0x5: {  	s2 =	sadd.s32 s2, s18  }
0x6: {  	[smem:$0x3FC6] =	sst s2  }
0x7: {  	_ = 	snop  }
0x8: {  	s2 =	sld [smem:$0x3FD0];
	(tm) =	ssettm $0x1  }
0x9: {  	s19 =	sld [smem:$0x3FFB];
	_ =	sdelay $0x3  }
0xa: {  	_ =	strace s19  }
0xb: {  	s3 =	sld [smem:$0x3FFC];
	_ =	sdelay $0x3  }
0xc: {  	_ =	strace s3  }
0xd: {  	s3 =	sld [smem:$0x3FFD];
	_ =	sdelay $0x3  }
0xe: {  	_ =	strace s3  }
0xf: {  	_ =	strace $0x8FFFFFFF  }
0x10: {  	s20 =	sld [smem:$0x3FDB];
	_ =	sdelay $0x1  }
0x11: {  	s4 =	simm.s32 $_scs_section_size  }
0x12: {  	s5 =	simm.s32 $_size__tile_overlayer_lowered;
	s6 =	simm.s32 $_tile_overlayer_lowered  }
0x13: {  	s23 =	simm.s32 $0x1BFF;
	s22 =	sshll.u32 s6, $0x1;
	s3 =	sadd.s32 s4, s20  }
0x14: {  	s7 =	simm.s32 $0x0;
	s21 =	sshll.u32 s5, $0x1;
	s5 =	sadd.s32 s22, s3  }
0x15: {  	[timem:s7], [sflag:s23] =	dma.local [hbm:s5], s21  }
0x16: {  	_ =	swait.ge [sflag:s23], s21  }
0x17: {  	s4 =	ssub.s32 $0x0, s21;
	[sflag:s23] =	ssyncset.done $0x0  }
0x18: {  	[sflag:s23] =	ssyncadd.s32 s4;
	_ =	sdelay $0x1  }
0x19: {  	s24 =	simm.s32 $0x1B8B  }
0x1a: {  	_ =	swait.ge [sflag:s24], $0x1  }
0x1b: {  	[sflag:s24] =	ssyncset.done $0x0  }
0x1c: {  	s26 =	simm.s32 $0x1B8E;
	s25 =	sld [smem:$0x3FFE];
	[sflag:s24] =	ssyncadd.s32 $0xFFFFFFFF  }
0x1d: {  	s27 =	simm.s32 $execute0_lowered;
	[smem:$0x3FD2] =	sst s26  }
0x1e: {  	s5 =	sshll.u32 s27, $0x1;
	_ =	strace $0x80000049;
	[dreg:$0x1] =	wrdreg $0xFFFFFFFF  }
0x1f: {  	s28 =	simm.s32 $_size_execute0_lowered;
	s3 =	sadd.s32 s3, s5;
	[dreg:$0x0] =	wrdreg $0x0  }
0x20: {  	s5 =	sshll.u32 s28, $0x1;
	[dreg:$0x2] =	wrdreg s3  }
0x21: {  	[dreg:$0x3] =	wrdreg s5  }
0x22: {  	[dreg:$0x4] =	wrdreg $0xC0  }
0x23: {  	_ =	task [dreg:s7], $0x5FFFF  }
0x24: {  	[dreg:$0x1] =	wrdreg $0xFFFFFFFF  }
0x25: {  	[dreg:$0x0] =	wrdreg $0x60  }
0x26: {  	[dreg:$0x2] =	wrdreg s25  }
0x27: {  	[dreg:$0x3] =	wrdreg s2  }
0x28: {  	[dreg:$0x4] =	wrdreg $0x9  }
0x29: {  	_ =	task.clear_ibuf [dreg:s7], $0x5FFFF;
	_ =	strace $0x90000049  }
0x2a: {  	s29 =	simm.s32 $0x9;
	_ =	strace $0x8000004B  }
0x2b: {  	_ =	swait.ge [sflag:s29], $0x1  }
0x2c: {  	[sflag:s29] =	ssyncadd.s32 $0xFFFFFFFF  }
0x2d: {  	_ =	strace $0x9000004B  }
0x2e: {  	_ =	sfence  }
0x2f: {  	s30 =	sld [smem:$0x0];
	_ =	sdelay $0x2  }
0x30: {  	s31 =	sshll.u32 s1, $0xD;
	s1 =	sshrl.u32 s1, $0x2  }
0x31: {  	s3 =	sand.u32 $0x4000, s31;
	s1 =	sadd.s32 s1, s30  }
0x32: {  	s0 =	sor.u32 s3, s0;
	s1 =	sshll.u32 s1, $0x11  }
0x33: {  	s0 =	sor.u32 s1, s0  }
0x34: {  	s0 =	sadd.s32 $0x8F2B, s0  }
0x35: {  	[sflag:s0] =	ssyncadd.remote.s32 $0x1  }
0x36: {  	_ =	sfence.sel $0xFFFF  }
0x37: {  	[dreg:$0x0] =	wrdreg $0xFFFFFFFF;
	(pc) =	sbr.abs _section_cstart, $3  }
0x38: {  	[dreg:$0x1] =	wrdreg $0xFFFFFFFF  }
0x39: {  	_ =	task.clear_ibuf [dreg:s7], $0x2FFFF;
	_ =	strace $0x9FFFFFFF  }
0x3a: {  	(tm) =	ssettm $0x7FFFFFFF  }
0x3b: {  	_ =	shalt  }
tec
execute0_lowered:
.L_overlay_start_1:
0x0: {  	(tag) =	ssettag $0x1  }
0x1: {  	s0 =	srdreg.scid  }
0x2: {  	s1 =	sshll.u32 s0, $0x4  }
0x3: {  	s0 =	stileid.u32;
	s1 =	sand.u32 $0x10, s1  }
0x4: {  	s1 =	sor.u32 s0, s1  }
0x5: {  	s6 =	rddreg [dreg:$0x0];
	s4 =	simm.s32 $0x1;
	s2 =	sshll.u32 s1, $0x7  }
0x6: {  	s7 =	simm.s32 $0x2;
	s12 =	simm.s32 $0x0;
	s1 =	ssub.s32 $0x1000, s2  }
0x7: {  	s8 =	simm.s32 $0x8000;
	s13 =	simm.s32 $0x0;
	s3 =	sand.u32 $0xF80, s1  }
0x8: {  	s9 =	simm.s32 $0x0;
	s5 =	sshrl.u32 s1, $0xC;
	p0 =	sne.s32 s3, $0x0  }
.Ltmp0:
0x9: {  	s1 =	rddreg [dreg:$0x2];
	s4 =	simm.s32 @!p0 $0x0;
	(pc) =	sbr.rel .LBB1_1-.Ltmp0, $4  }
0xa: {  	s11 =	simm.s32 $0x0;
	s3 =	rddreg [dreg:$0x1];
	s5 =	sadd.s32 s4, s5  }
0xb: {  	_ =	strace $0x8000004A;
	s4 =	simm.s32 $0x1;
	s5 =	smul.u32 $0xC8, s5  }
0xc: {  	s6 =	sadd.s32 $0xA00, s6;
	s10 =	smov.u32 s2;
	[sflag:s4] =	ssyncpa.u1 $0x0  }
0xd: {  	p0 =	por $0x0, $0x0;
	[sflag:s7] =	ssyncpa.u1 $0x0;
	s7 =	sor.u32 $0x1, s5  }
.LBB1_4:
0xe: {  	s16 =	sshll.u32 s13, $0x3;
	s17 =	sand.u32 $0x78, s13  }
0xf: {  	s30 =	sand.u32 $0x7E00, s13;
	s12 =	sshll.u32 s12, $0xF;
	s16 =	sand.u32 $0xC00, s16  }
0x10: {  	[tilespmem:s15+$0x810 ss:$0x81] =	vst.msk $0xffff, v2;
	s31 =	sand.u32 $0x7, s13;
	s16 =	sor.u32 s17, s16;
	s17 =	sadd.s32 s3, s30  }
0x11: {  	[tilespmem:s15+$0x1020 ss:$0x81] =	vst.msk $0xffff, v0;
	s13 =	sshll.u32 s31, $0x12;
	s12 =	sadd.s32 s12, s17;
	s16 =	sshrl.u32 s16, $0x3  }
0x12: {  	[tilespmem:s15+$0x0 ss:$0x81] =	vst.msk $0xffff, v1;
	s13 =	sor.u32 $0x400, s13;
	s12 =	sadd.s32 s16, s12  }
0x13: {  	[hbm4b:s12+s13] =	stream.strided.scatter [tilespmem:s14], [sflag:$0x2], $0x2000, s8, s13, $0x20;
	[tilespmem:$0x8080] =	vst v63  }
.LBB1_5:
0x14: {  	s14 =	sadd.s32 $0x1, s9  }
0x15: {  	s12 =	sadd.s32 $0x1000, s10;
	s16 =	smov.u32 s10;
	p2 =	sgt.s32 s14, $0xC7  }
0x16: {  	s16 =	smov.u32 @p2 s12  }
0x17: {  	s14 =	simm.s32 @p2 $0x0;
	p2 =	sgt.s32 s16, $0xFFF  }
0x18: {  	s16 =	smov.u32 @p2 s2;
	p2 =	sne.s32 s11, s7  }
.Ltmp1:
0x19: {  	p1 =	slt.u32 s11, $0x2;
	(pc) =	sbr.rel @!p2 .LBB1_6-.Ltmp1, $4  }
0x1a: {  	s15 =	simm.s32 @!p1 $0x2  }
0x1b: {  	s13 =	smov.u32 s10;
	p0 =	por !p0, !p0;
	_ =	swait.ge @!p1 [sflag:s15], $0x2000  }
0x1c: {  	s12 =	smov.u32 s9;
	[sflag:s15] =	ssyncset.done @!p1 $0x0;
	s9 =	smov.u32 s14  }
0x1d: {  	s11 =	sadd.s32 $0x1, s11;
	[sflag:s15] =	ssyncadd.s32 @!p1 $0xFFFFE000;
	s10 =	smov.u32 s16  }
.LBB1_1:
0x1e: {  	p1 =	sge.u32 s11, s5  }
0x1f: {  	s14 =	sand.u32 @!p1 $0x1FFFFFF, s9  }
0x20: {  	s15 =	smulhi.u32 @!p1 $0x147AE15, s14;
	_ =	sdelay $0x1  }
0x21: {  	s15 =	smul.u32 @!p1 $0xC8, s15  }
0x22: {  	s16 =	sxor.u32 @!p1 $0xFFFFFFFF, s11;
	s17 =	smul.u32 @!p1 $0xC80, s10  }
0x23: {  	s31 =	sadd.s32 $0xFFFFFFFF, s11;
	s16 =	sshll.u32 @!p1 s16, $0xD;
	s14 =	ssub.s32 @!p1 s14, s15  }
0x24: {  	s15 =	sand.u32 @!p1 $0x2000, s16;
	s16 =	sadd.s32 @!p1 s6, s17;
	s14 =	sshll.u32 @!p1 s14, $0x4  }
0x25: {  	s17 =	simm.s32 @!p1 $0x6400;
	s14 =	sadd.s32 @!p1 s14, s16;
	s16 =	simm.s32 @!p1 $0x40  }
0x26: {  	[tilespmem:s15], [sflag:$0x1] =	stream.strided.gather @!p1 [hbm4b:s14+s16], $0x2000, s17, s16, $0x38;
	[tilespmem:$0x8080] =	vst v63  }
0x27: {  	p1 =	sge.u32 s31, s5  }
.Ltmp2:
0x28: {  	_ = 	snop;
	(pc) =	sbr.rel @p1 .LBB1_5-.Ltmp2, $1  }
0x29: {  	_ =	sdelay $0x3  }
0x2a: {  	s14 =	simm.s32 $0x1  }
0x2b: {  	_ =	swait.ge [sflag:s4], $0x2000;
	s14 =	simm.s32 @!p0 $0x0  }
0x2c: {  	[sflag:s4] =	ssyncset.done $0x0;
	s15 =	sshll.u32 s14, $0xD  }
0x2d: {  	[sflag:s4] =	ssyncadd.s32 $0xFFFFE000;
	s18 =	sor.u32 $0x20, s15  }
0x2e: {  	s14 =	smul.u32 $0x8100, s14;
	v3 =	vld [tilespmem:s18+$0x10]  }
0x2f: {  	s30 =	sand.u32 $0x1, s11;
	v2 =	vld [tilespmem:s18+$0xFFFFFFF0]  }
0x30: {  	s15 =	smul.u32 $0x8100, s30;
	s14 =	sshrl.u32 s14, $0x2;
	v0 =	vld [tilespmem:s18+$0x0]  }
0x31: {  	v1 =	vld [tilespmem:s18+$0xFFFFFFE0];
	s16 =	sor.u32 $0x4000, s14  }
0x32: {  	s31 =	sshrl.u32 s15, $0x2;
	s15 =	sadd.s32 $0x0, s16  }
0x33: {  	s17 =	simm.s32 $0x4;
	s18 =	sadd.s32 $0x40, s18;
	s14 =	sor.u32 $0x4000, s31;
	[tilespmem:s15+$0x1830 ss:$0x81] =	vst.msk $0xffff, v3  }
.LBB1_3:
0x34: {  	v3 =	vld [tilespmem:s18+$0x10];
	p1 =	sne.s32 s17, $0x1FC;
	[tilespmem:s15+$0x810 ss:$0x81] =	vst.msk $0xffff, v2;
	s19 =	smov.u32 s17;
	s17 =	sadd.s32 $0x4, s17  }
.Ltmp3:
0x35: {  	v2 =	vld [tilespmem:s18+$0xFFFFFFF0];
	[tilespmem:s15+$0x1020 ss:$0x81] =	vst.msk $0xffff, v0;
	(pc) =	sbr.rel @p1 .LBB1_3-.Ltmp3, $4  }
0x36: {  	v0 =	vld [tilespmem:s18+$0x0];
	[tilespmem:s15+$0x0 ss:$0x81] =	vst.msk $0xffff, v1  }
0x37: {  	s15 =	sshra.s32 s19, $0x2;
	v1 =	vld [tilespmem:s18+$0xFFFFFFE0]  }
0x38: {  	s15 =	sadd.s32 s15, s16  }
0x39: {  	s18 =	sadd.s32 $0x40, s18;
	[tilespmem:s15+$0x1830 ss:$0x81] =	vst.msk $0xffff, v3  }
.Ltmp4:
0x3a: {  	_ = 	snop;
	(pc) =	sbr.rel .LBB1_4-.Ltmp4, $1  }
0x3b: {  	_ =	sdelay $0x3  }
.LBB1_6:
0x3c: {  	_ =	sfence.sel $0x180000  }
0x3d: {  	s2 =	simm.s32 $0x1;
	[bflag:$0x0] =	sbarrier.arrive $0xFFFF  }
0x3e: {  	s31 =	simm.s32 $0x2;
	[sflag:s2] =	ssyncpa.u1 $0x1  }
0x3f: {  	[sflag:s31] =	ssyncpa.u1 $0x1  }
0x40: {  	p0 =	sne.s32 s0, $0x0;
	_ =	strace $0x9000004A  }
0x41: {  	s0 =	sadd.s32 @!p0 $0x100000, s1;
	[bflag:$0x2] =	sbarrier.arrive $0xFFFF  }
0x42: {  	[sflag:s0] =	ssyncadd.tile.s32 @!p0 $0x1;
	_ =	shalt  }
.Lfunc_end1:
_tile_overlayer_lowered:
.L_overlay_start_2:
0x43: {  	(tag) =	ssettag $0x2  }
0x44: {  	s0 =	rddreg [dreg:$0x0];
	s2 =	stileid.u32  }
0x45: {  	s1 =	rddreg [dreg:$0x1];
	p0 =	sne.s32 s2, $0x0  }
0x46: {  	s3 =	rddreg [dreg:$0x2];
	[bflag:$0x3] =	sbarrier.arrive $0xFFFF;
	s2 =	simm.s32 @!p0 $0x1C01  }
0x47: {  	[timem:s3], [sflag:s2] =	dma.local @!p0 [hbm:s0], s1  }
0x48: {  	s0 =	simm.s32 @!p0 $0x1  }
0x49: {  	_ =	swait.ge @!p0 [sflag:s0], s1  }
0x4a: {  	s1 =	ssub.s32 @!p0 $0x0, s1;
	[sflag:s0] =	ssyncset.done @!p0 $0x0  }
0x4b: {  	[sflag:s0] =	ssyncadd.s32 @!p0 s1  }
0x4c: {  	[bflag:$0x3] =	sbarrier.arrive $0xFFFF  }
0x4d: {  	_ =	shalt  }

</sc_bundles>
